<compile_context>
chip_gen: v7x
topology: tpu7x:2x2x1
jax: 0.10.2.dev20260603
libtpu: 0.0.44.dev20260713+nightly
codegen_flags: <defaults>
</compile_context>

<pallas_src>
import functools

import jax
import jax.numpy as jnp
from jax import lax
from jax.experimental import pallas as pl
from jax.experimental.pallas import tpu as pltpu
from jax.experimental.pallas import tpu_sc as plsc

B, R, C = 2, 8192, 2048
NC, NS, L = 2, 16, 16
NW = NC * NS
SLAB = 8
UNROLL = 8

TC_ROWS = 10240
SC_ROWS = B * R - TC_ROWS
ROWS_PER_W = SC_ROWS // NW
N_CHUNKS = ROWS_PER_W // SLAB
TC_BLK = 512


def _sc_partial_kernel(in_hbm, tg_hbm, sums_hbm, cnts_hbm,
                       ib0, tb0, ib1, tb1, ovec, cvec,
                       si0, st0, si1, st1):
    wid = lax.axis_index("s") * NC + lax.axis_index("c")
    fr0 = TC_ROWS + wid * ROWS_PER_W

    zero = jnp.zeros((L,), jnp.float32)
    one = jnp.full((L,), 1.0, jnp.float32)
    acc0 = tuple(zero for _ in range(UNROLL))
    cnt0 = tuple(zero for _ in range(UNROLL))

    def start(c, ib, tb, semi, semt):
        fr = fr0 + c * SLAB
        b = fr // R
        r = fr % R
        pltpu.async_copy(in_hbm.at[b, pl.ds(r, SLAB), :], ib, semi)
        pltpu.async_copy(tg_hbm.at[b, pl.ds(r, SLAB), :], tb, semt)

    def wait(ib, tb, semi, semt):
        pltpu.make_async_copy(in_hbm.at[0, pl.ds(0, SLAB), :], ib, semi).wait()
        pltpu.make_async_copy(tg_hbm.at[0, pl.ds(0, SLAB), :], tb, semt).wait()

    def compute(ib, tb, acc, cnt):
        @plsc.parallel_loop(0, C, step=L, unroll=1, carry=(acc, cnt))
        def inner(j, carry):
            acc2, cnt2 = carry
            acc2 = list(acc2)
            cnt2 = list(cnt2)
            for u in range(UNROLL):
                t = tb[u, pl.ds(j, L)]
                x = ib[u, pl.ds(j, L)]
                d = t - x
                m = t >= 1.0
                acc2[u] = acc2[u] + jnp.where(m, d * d, zero)
                cnt2[u] = cnt2[u] + jnp.where(m, one, zero)
            return tuple(acc2), tuple(cnt2)

        return inner

    start(0, ib0, tb0, si0, st0)
    start(1, ib1, tb1, si1, st1)

    def pair(p, carry):
        acc, cnt = carry
        c0 = 2 * p
        wait(ib0, tb0, si0, st0)
        acc, cnt = compute(ib0, tb0, acc, cnt)

        @pl.when(c0 + 2 < N_CHUNKS)
        def _():
            start(c0 + 2, ib0, tb0, si0, st0)

        wait(ib1, tb1, si1, st1)
        acc, cnt = compute(ib1, tb1, acc, cnt)

        @pl.when(c0 + 3 < N_CHUNKS)
        def _():
            start(c0 + 3, ib1, tb1, si1, st1)

        return acc, cnt

    acc, cnt = lax.fori_loop(0, N_CHUNKS // 2, pair, (acc0, cnt0))

    s = acc[0]
    for u in range(1, UNROLL):
        s = s + acc[u]
    ovec[...] = s
    pltpu.sync_copy(ovec, sums_hbm.at[wid])

    k = cnt[0]
    for u in range(1, UNROLL):
        k = k + cnt[u]
    cvec[...] = k
    pltpu.sync_copy(cvec, cnts_hbm.at[wid])


_sc_partials = functools.partial(
    pl.kernel,
    out_type=(
        jax.ShapeDtypeStruct((NW, L), jnp.float32),
        jax.ShapeDtypeStruct((NW, L), jnp.float32),
    ),
    mesh=plsc.VectorSubcoreMesh(core_axis_name="c", subcore_axis_name="s"),
    scratch_types=[
        pltpu.VMEM((SLAB, C), jnp.float32),
        pltpu.VMEM((SLAB, C), jnp.float32),
        pltpu.VMEM((SLAB, C), jnp.float32),
        pltpu.VMEM((SLAB, C), jnp.float32),
        pltpu.VMEM((L,), jnp.float32),
        pltpu.VMEM((L,), jnp.float32),
        pltpu.SemaphoreType.DMA,
        pltpu.SemaphoreType.DMA,
        pltpu.SemaphoreType.DMA,
        pltpu.SemaphoreType.DMA,
    ],
)(_sc_partial_kernel)


def _tc_partial_kernel(in_ref, tg_ref, sum_ref, cnt_ref):
    x = in_ref[0]
    t = tg_ref[0]
    d = t - x
    m = t >= 1.0
    s = jnp.sum(jnp.where(m, d * d, 0.0))
    k = jnp.sum(jnp.where(m, 1.0, 0.0))

    @pl.when(pl.program_id(0) == 0)
    def _():
        sum_ref[0, 0] = 0.0
        cnt_ref[0, 0] = 0.0

    sum_ref[0, 0] += s
    cnt_ref[0, 0] += k


def _tc_partials(inputs, targets):
    grid = TC_ROWS // TC_BLK
    rb = R // TC_BLK
    return pl.pallas_call(
        _tc_partial_kernel,
        grid=(grid,),
        in_specs=[
            pl.BlockSpec((1, TC_BLK, C), lambda i: (i // rb, i % rb, 0)),
            pl.BlockSpec((1, TC_BLK, C), lambda i: (i // rb, i % rb, 0)),
        ],
        out_specs=[
            pl.BlockSpec(memory_space=pltpu.SMEM),
            pl.BlockSpec(memory_space=pltpu.SMEM),
        ],
        out_shape=[
            jax.ShapeDtypeStruct((1, 1), jnp.float32),
            jax.ShapeDtypeStruct((1, 1), jnp.float32),
        ],
    )(inputs, targets)


def _combine_kernel(sums_ref, cnts_ref, tsum_ref, tcnt_ref, out_ref):
    s = jnp.sum(sums_ref[...]) + tsum_ref[0, 0]
    k = jnp.sum(cnts_ref[...]) + tcnt_ref[0, 0]
    out_ref[0, 0] = s / k


def _combine(sums, cnts, tsum, tcnt):
    return pl.pallas_call(
        _combine_kernel,
        out_shape=jax.ShapeDtypeStruct((1, 1), jnp.float32),
        in_specs=[
            pl.BlockSpec(memory_space=pltpu.VMEM),
            pl.BlockSpec(memory_space=pltpu.VMEM),
            pl.BlockSpec(memory_space=pltpu.SMEM),
            pl.BlockSpec(memory_space=pltpu.SMEM),
        ],
        out_specs=pl.BlockSpec(memory_space=pltpu.SMEM),
    )(sums, cnts, tsum, tcnt)


def kernel(inputs, targets):
    sums, cnts = _sc_partials(inputs, targets)
    tsum, tcnt = _tc_partials(inputs, targets)
    return _combine(sums, cnts, tsum, tcnt)[0, 0]

# --- scband reference (transcript-rebuilt; emitter-appended) ---
"""Pipeline reference for scband-masked-mseloss-44341242364136 (READ-ONLY COPY).

The authoritative reference and input builder live on the scoring server;
editing this copy changes nothing except your own understanding.
"""

import jax, jax.numpy as jnp
import numpy as np


def setup_inputs(seed: int = 0) -> dict:
    key = jax.random.key(seed)
    k1, k2 = jax.random.split(key)
    inputs = jax.random.normal(k1, (2, 8192, 2048), dtype=jnp.float32)
    targets = jax.random.normal(k2, (2, 8192, 2048), dtype=jnp.float32)
    return {"inputs": inputs, "targets": targets}


def reference(inputs, targets):
    # Faithful translation of MaskedMSELoss.forward:
    #   mask = targets.ge(1); mean((masked_targets - masked_inputs)**2)
    # masked_select + mean is equivalent to a masked sum divided by mask count.
    i = inputs.reshape(-1)
    t = targets.reshape(-1)
    mask = (t >= 1.0)
    maskf = mask.astype(jnp.float32)
    sq = (t - i) ** 2
    masked_sum = jnp.sum(sq * maskf)
    count = jnp.sum(maskf)
    return masked_sum / count

if __name__ == "__main__":
    import jax
    _d = setup_inputs()
    print(jax.jit(kernel)(*tuple(_d.values())))

</pallas_src>

<mosaic_0001>
#map = affine_map<(d0, d1) -> (0, 0, 0)>
#map1 = affine_map<(d0, d1) -> (0, 0)>
module attributes {stable_mosaic.version = 14 : i64} {
  func.func @_sc_partial_kernel(%arg0: i32, %arg1: i32, %arg2: memref<2x8192x2048xf32, #tpu.memory_space<hbm>>, %arg3: memref<2x8192x2048xf32, #tpu.memory_space<hbm>>, %arg4: memref<32x16xf32, #tpu.memory_space<hbm>>, %arg5: memref<32x16xf32, #tpu.memory_space<hbm>>, %arg6: memref<8x2048xf32, #tpu.memory_space<vmem>>, %arg7: memref<8x2048xf32, #tpu.memory_space<vmem>>, %arg8: memref<8x2048xf32, #tpu.memory_space<vmem>>, %arg9: memref<8x2048xf32, #tpu.memory_space<vmem>>, %arg10: memref<16xf32, #tpu.memory_space<vmem>>, %arg11: memref<16xf32, #tpu.memory_space<vmem>>, %arg12: memref<!tpu.dma_semaphore, #tpu.memory_space<semaphore_mem>>, %arg13: memref<!tpu.dma_semaphore, #tpu.memory_space<semaphore_mem>>, %arg14: memref<!tpu.dma_semaphore, #tpu.memory_space<semaphore_mem>>, %arg15: memref<!tpu.dma_semaphore, #tpu.memory_space<semaphore_mem>>) attributes {dimension_semantics = [#tpu.dimension_semantics<core_parallel>, #tpu.dimension_semantics<subcore_parallel>], iteration_bounds = array<i64: 2, 16>, scalar_prefetch = 0 : i64, scratch_operands = 10 : i64, tpu.core_type = #tpu.core_type<sc_vector_subcore>, window_params = [{transform_indices = #map}, {transform_indices = #map}, {transform_indices = #map1}, {transform_indices = #map1}]} {
    %mul3A = arith.constant 2 : i32
    %mul3A_0 = arith.muli %arg1, %mul3A : i32
    %add3A = arith.addi %mul3A_0, %arg0 : i32
    %mul3A_1 = arith.constant 192 : i32
    %mul3A_2 = arith.muli %add3A, %mul3A_1 : i32
    %add3A_3 = arith.constant 10240 : i32
    %add3A_4 = arith.addi %add3A_3, %mul3A_2 : i32
    %broadcast_in_dim3A = arith.constant 0.000000e+00 : f32
    %broadcast_in_dim3A_5 = vector.broadcast %broadcast_in_dim3A : f32 to vector<16xf32>
    %broadcast_in_dim3A_6 = arith.constant 1.000000e+00 : f32
    %broadcast_in_dim3A_7 = vector.broadcast %broadcast_in_dim3A_6 : f32 to vector<16xf32>
    %add3A_8 = arith.constant 0 : i32
    %add3A_9 = arith.addi %add3A_4, %add3A_8 : i32
    %jit3A = arith.constant 8192 : i32
    %div3A = arith.divsi %add3A_9, %jit3A : i32
    %sign3A = arith.constant 0 : i32
    %sign3A_10 = arith.cmpi sgt, %add3A_9, %sign3A : i32
    %sign3A_11 = arith.extui %sign3A_10 : i1 to i32
    %sign3A_12 = arith.constant 0 : i32
    %sign3A_13 = arith.cmpi slt, %add3A_9, %sign3A_12 : i32
    %sign3A_14 = arith.extui %sign3A_13 : i1 to i32
    %sign3A_15 = arith.subi %sign3A_11, %sign3A_14 : i32
    %sign3A_16 = arith.constant 0 : i32
    %sign3A_17 = arith.cmpi sgt, %jit3A, %sign3A_16 : i32
    %sign3A_18 = arith.extui %sign3A_17 : i1 to i32
    %sign3A_19 = arith.constant 0 : i32
    %sign3A_20 = arith.cmpi slt, %jit3A, %sign3A_19 : i32
    %sign3A_21 = arith.extui %sign3A_20 : i1 to i32
    %sign3A_22 = arith.subi %sign3A_18, %sign3A_21 : i32
    %ne3A = arith.cmpi ne, %sign3A_15, %sign3A_22 : i32
    %rem3A = arith.remsi %add3A_9, %jit3A : i32
    %ne3A_23 = arith.constant 0 : i32
    %ne3A_24 = arith.cmpi ne, %rem3A, %ne3A_23 : i32
    %and3A = arith.andi %ne3A, %ne3A_24 : i1
    %sub3A = arith.constant 1 : i32
    %sub3A_25 = arith.subi %div3A, %sub3A : i32
    %select_n3A = arith.select %and3A, %sub3A_25, %div3A : i32
    %jit3A_26 = arith.constant 8192 : i32
    %eq3A = arith.constant 0 : i32
    %eq3A_27 = arith.cmpi eq, %jit3A_26, %eq3A : i32
    %jit3A_28 = arith.constant 1 : i32
    %select_n3A_29 = arith.select %eq3A_27, %jit3A_28, %jit3A_26 : i32
    %rem3A_30 = arith.remsi %add3A_9, %select_n3A_29 : i32
    %ne3A_31 = arith.constant 0 : i32
    %ne3A_32 = arith.cmpi ne, %rem3A_30, %ne3A_31 : i32
    %lt3A = arith.constant 0 : i32
    %lt3A_33 = arith.cmpi slt, %rem3A_30, %lt3A : i32
    %lt3A_34 = arith.constant 0 : i32
    %lt3A_35 = arith.cmpi slt, %select_n3A_29, %lt3A_34 : i32
    %ne3A_36 = arith.xori %lt3A_33, %lt3A_35 : i1
    %and3A_37 = arith.andi %ne3A_36, %ne3A_32 : i1
    %add3A_38 = arith.addi %rem3A_30, %select_n3A_29 : i32
    %select_n3A_39 = arith.select %and3A_37, %add3A_38, %rem3A_30 : i32
    %dma_start3A = arith.constant 0 : i32
    %dma_start3A_40 = tpu.memref_slice %arg2[%select_n3A, %select_n3A_39, %dma_start3A] : memref<2x8192x2048xf32, #tpu.memory_space<hbm>> -> memref<1x8x2048xf32, #tpu.memory_space<hbm>>
    %dma_start3A_41 = tpu.memref_squeeze %dma_start3A_40 : memref<1x8x2048xf32, #tpu.memory_space<hbm>> -> memref<8x2048xf32, #tpu.memory_space<hbm>>
    %dma_start3A_42 = arith.constant 0 : i32
    %dma_start3A_43 = tpu.memref_slice %arg2[%select_n3A, %select_n3A_39, %dma_start3A_42] : memref<2x8192x2048xf32, #tpu.memory_space<hbm>> -> memref<1x8x2048xf32, #tpu.memory_space<hbm>>
    %dma_start3A_44 = tpu.memref_squeeze %dma_start3A_43 : memref<1x8x2048xf32, #tpu.memory_space<hbm>> -> memref<8x2048xf32, #tpu.memory_space<hbm>>
    tpu.enqueue_dma source(%dma_start3A_44 : memref<8x2048xf32, #tpu.memory_space<hbm>>) target(%arg6 : memref<8x2048xf32, #tpu.memory_space<vmem>>) target_semaphore(%arg12 : memref<!tpu.dma_semaphore, #tpu.memory_space<semaphore_mem>>)
    %dma_start3A_45 = arith.constant 0 : i32
    %dma_start3A_46 = tpu.memref_slice %arg3[%select_n3A, %select_n3A_39, %dma_start3A_45] : memref<2x8192x2048xf32, #tpu.memory_space<hbm>> -> memref<1x8x2048xf32, #tpu.memory_space<hbm>>
    %dma_start3A_47 = tpu.memref_squeeze %dma_start3A_46 : memref<1x8x2048xf32, #tpu.memory_space<hbm>> -> memref<8x2048xf32, #tpu.memory_space<hbm>>
    %dma_start3A_48 = arith.constant 0 : i32
    %dma_start3A_49 = tpu.memref_slice %arg3[%select_n3A, %select_n3A_39, %dma_start3A_48] : memref<2x8192x2048xf32, #tpu.memory_space<hbm>> -> memref<1x8x2048xf32, #tpu.memory_space<hbm>>
    %dma_start3A_50 = tpu.memref_squeeze %dma_start3A_49 : memref<1x8x2048xf32, #tpu.memory_space<hbm>> -> memref<8x2048xf32, #tpu.memory_space<hbm>>
    tpu.enqueue_dma source(%dma_start3A_50 : memref<8x2048xf32, #tpu.memory_space<hbm>>) target(%arg7 : memref<8x2048xf32, #tpu.memory_space<vmem>>) target_semaphore(%arg13 : memref<!tpu.dma_semaphore, #tpu.memory_space<semaphore_mem>>)
    %add3A_51 = arith.constant 8 : i32
    %add3A_52 = arith.addi %add3A_4, %add3A_51 : i32
    %jit3A_53 = arith.constant 8192 : i32
    %div3A_54 = arith.divsi %add3A_52, %jit3A_53 : i32
    %sign3A_55 = arith.constant 0 : i32
    %sign3A_56 = arith.cmpi sgt, %add3A_52, %sign3A_55 : i32
    %sign3A_57 = arith.extui %sign3A_56 : i1 to i32
    %sign3A_58 = arith.constant 0 : i32
    %sign3A_59 = arith.cmpi slt, %add3A_52, %sign3A_58 : i32
    %sign3A_60 = arith.extui %sign3A_59 : i1 to i32
    %sign3A_61 = arith.subi %sign3A_57, %sign3A_60 : i32
    %sign3A_62 = arith.constant 0 : i32
    %sign3A_63 = arith.cmpi sgt, %jit3A_53, %sign3A_62 : i32
    %sign3A_64 = arith.extui %sign3A_63 : i1 to i32
    %sign3A_65 = arith.constant 0 : i32
    %sign3A_66 = arith.cmpi slt, %jit3A_53, %sign3A_65 : i32
    %sign3A_67 = arith.extui %sign3A_66 : i1 to i32
    %sign3A_68 = arith.subi %sign3A_64, %sign3A_67 : i32
    %ne3A_69 = arith.cmpi ne, %sign3A_61, %sign3A_68 : i32
    %rem3A_70 = arith.remsi %add3A_52, %jit3A_53 : i32
    %ne3A_71 = arith.constant 0 : i32
    %ne3A_72 = arith.cmpi ne, %rem3A_70, %ne3A_71 : i32
    %and3A_73 = arith.andi %ne3A_69, %ne3A_72 : i1
    %sub3A_74 = arith.constant 1 : i32
    %sub3A_75 = arith.subi %div3A_54, %sub3A_74 : i32
    %select_n3A_76 = arith.select %and3A_73, %sub3A_75, %div3A_54 : i32
    %jit3A_77 = arith.constant 8192 : i32
    %eq3A_78 = arith.constant 0 : i32
    %eq3A_79 = arith.cmpi eq, %jit3A_77, %eq3A_78 : i32
    %jit3A_80 = arith.constant 1 : i32
    %select_n3A_81 = arith.select %eq3A_79, %jit3A_80, %jit3A_77 : i32
    %rem3A_82 = arith.remsi %add3A_52, %select_n3A_81 : i32
    %ne3A_83 = arith.constant 0 : i32
    %ne3A_84 = arith.cmpi ne, %rem3A_82, %ne3A_83 : i32
    %lt3A_85 = arith.constant 0 : i32
    %lt3A_86 = arith.cmpi slt, %rem3A_82, %lt3A_85 : i32
    %lt3A_87 = arith.constant 0 : i32
    %lt3A_88 = arith.cmpi slt, %select_n3A_81, %lt3A_87 : i32
    %ne3A_89 = arith.xori %lt3A_86, %lt3A_88 : i1
    %and3A_90 = arith.andi %ne3A_89, %ne3A_84 : i1
    %add3A_91 = arith.addi %rem3A_82, %select_n3A_81 : i32
    %select_n3A_92 = arith.select %and3A_90, %add3A_91, %rem3A_82 : i32
    %dma_start3A_93 = arith.constant 0 : i32
    %dma_start3A_94 = tpu.memref_slice %arg2[%select_n3A_76, %select_n3A_92, %dma_start3A_93] : memref<2x8192x2048xf32, #tpu.memory_space<hbm>> -> memref<1x8x2048xf32, #tpu.memory_space<hbm>>
    %dma_start3A_95 = tpu.memref_squeeze %dma_start3A_94 : memref<1x8x2048xf32, #tpu.memory_space<hbm>> -> memref<8x2048xf32, #tpu.memory_space<hbm>>
    %dma_start3A_96 = arith.constant 0 : i32
    %dma_start3A_97 = tpu.memref_slice %arg2[%select_n3A_76, %select_n3A_92, %dma_start3A_96] : memref<2x8192x2048xf32, #tpu.memory_space<hbm>> -> memref<1x8x2048xf32, #tpu.memory_space<hbm>>
    %dma_start3A_98 = tpu.memref_squeeze %dma_start3A_97 : memref<1x8x2048xf32, #tpu.memory_space<hbm>> -> memref<8x2048xf32, #tpu.memory_space<hbm>>
    tpu.enqueue_dma source(%dma_start3A_98 : memref<8x2048xf32, #tpu.memory_space<hbm>>) target(%arg8 : memref<8x2048xf32, #tpu.memory_space<vmem>>) target_semaphore(%arg14 : memref<!tpu.dma_semaphore, #tpu.memory_space<semaphore_mem>>)
    %dma_start3A_99 = arith.constant 0 : i32
    %dma_start3A_100 = tpu.memref_slice %arg3[%select_n3A_76, %select_n3A_92, %dma_start3A_99] : memref<2x8192x2048xf32, #tpu.memory_space<hbm>> -> memref<1x8x2048xf32, #tpu.memory_space<hbm>>
    %dma_start3A_101 = tpu.memref_squeeze %dma_start3A_100 : memref<1x8x2048xf32, #tpu.memory_space<hbm>> -> memref<8x2048xf32, #tpu.memory_space<hbm>>
    %dma_start3A_102 = arith.constant 0 : i32
    %dma_start3A_103 = tpu.memref_slice %arg3[%select_n3A_76, %select_n3A_92, %dma_start3A_102] : memref<2x8192x2048xf32, #tpu.memory_space<hbm>> -> memref<1x8x2048xf32, #tpu.memory_space<hbm>>
    %dma_start3A_104 = tpu.memref_squeeze %dma_start3A_103 : memref<1x8x2048xf32, #tpu.memory_space<hbm>> -> memref<8x2048xf32, #tpu.memory_space<hbm>>
    tpu.enqueue_dma source(%dma_start3A_104 : memref<8x2048xf32, #tpu.memory_space<hbm>>) target(%arg9 : memref<8x2048xf32, #tpu.memory_space<vmem>>) target_semaphore(%arg15 : memref<!tpu.dma_semaphore, #tpu.memory_space<semaphore_mem>>)
    %scan3A = arith.constant 0 : i32
    %scan3A_105 = arith.constant 12 : i32
    %scan3A_106 = arith.addi %scan3A, %scan3A_105 : i32
    %scan3A_107 = arith.constant 1 : i32
    %scan3A_108:16 = scf.for %scan3A_131 = %scan3A to %scan3A_106 step %scan3A_107 iter_args(%scan3A_132 = %broadcast_in_dim3A_5, %scan3A_133 = %broadcast_in_dim3A_5, %scan3A_134 = %broadcast_in_dim3A_5, %scan3A_135 = %broadcast_in_dim3A_5, %scan3A_136 = %broadcast_in_dim3A_5, %scan3A_137 = %broadcast_in_dim3A_5, %scan3A_138 = %broadcast_in_dim3A_5, %scan3A_139 = %broadcast_in_dim3A_5, %scan3A_140 = %broadcast_in_dim3A_5, %scan3A_141 = %broadcast_in_dim3A_5, %scan3A_142 = %broadcast_in_dim3A_5, %scan3A_143 = %broadcast_in_dim3A_5, %scan3A_144 = %broadcast_in_dim3A_5, %scan3A_145 = %broadcast_in_dim3A_5, %scan3A_146 = %broadcast_in_dim3A_5, %scan3A_147 = %broadcast_in_dim3A_5) -> (vector<16xf32>, vector<16xf32>, vector<16xf32>, vector<16xf32>, vector<16xf32>, vector<16xf32>, vector<16xf32>, vector<16xf32>, vector<16xf32>, vector<16xf32>, vector<16xf32>, vector<16xf32>, vector<16xf32>, vector<16xf32>, vector<16xf32>, vector<16xf32>)  : i32 {
      %mul3A_148 = arith.constant 2 : i32
      %mul3A_149 = arith.muli %mul3A_148, %scan3A_131 : i32
      %dma_wait3A = arith.constant 0 : i32
      %dma_wait3A_150 = arith.constant 0 : i32
      %dma_wait3A_151 = arith.constant 0 : i32
      %dma_wait3A_152 = tpu.memref_slice %arg2[%dma_wait3A, %dma_wait3A_150, %dma_wait3A_151] : memref<2x8192x2048xf32, #tpu.memory_space<hbm>> -> memref<1x8x2048xf32, #tpu.memory_space<hbm>>
      %dma_wait3A_153 = tpu.memref_squeeze %dma_wait3A_152 : memref<1x8x2048xf32, #tpu.memory_space<hbm>> -> memref<8x2048xf32, #tpu.memory_space<hbm>>
      %dma_wait3A_154 = arith.constant 0 : i32
      %dma_wait3A_155 = arith.constant 0 : i32
      %dma_wait3A_156 = tpu.memref_slice %arg2[%dma_wait3A, %dma_wait3A_154, %dma_wait3A_155] : memref<2x8192x2048xf32, #tpu.memory_space<hbm>> -> memref<1x8x2048xf32, #tpu.memory_space<hbm>>
      %dma_wait3A_157 = tpu.memref_squeeze %dma_wait3A_156 : memref<1x8x2048xf32, #tpu.memory_space<hbm>> -> memref<8x2048xf32, #tpu.memory_space<hbm>>
      tpu.wait_dma2 semaphore(%arg12 : memref<!tpu.dma_semaphore, #tpu.memory_space<semaphore_mem>>) src(%dma_wait3A_157 : memref<8x2048xf32, #tpu.memory_space<hbm>>) dst(%arg6 : memref<8x2048xf32, #tpu.memory_space<vmem>>)
      %dma_wait3A_158 = arith.constant 0 : i32
      %dma_wait3A_159 = arith.constant 0 : i32
      %dma_wait3A_160 = arith.constant 0 : i32
      %dma_wait3A_161 = tpu.memref_slice %arg3[%dma_wait3A_158, %dma_wait3A_159, %dma_wait3A_160] : memref<2x8192x2048xf32, #tpu.memory_space<hbm>> -> memref<1x8x2048xf32, #tpu.memory_space<hbm>>
      %dma_wait3A_162 = tpu.memref_squeeze %dma_wait3A_161 : memref<1x8x2048xf32, #tpu.memory_space<hbm>> -> memref<8x2048xf32, #tpu.memory_space<hbm>>
      %dma_wait3A_163 = arith.constant 0 : i32
      %dma_wait3A_164 = arith.constant 0 : i32
      %dma_wait3A_165 = tpu.memref_slice %arg3[%dma_wait3A_158, %dma_wait3A_163, %dma_wait3A_164] : memref<2x8192x2048xf32, #tpu.memory_space<hbm>> -> memref<1x8x2048xf32, #tpu.memory_space<hbm>>
      %dma_wait3A_166 = tpu.memref_squeeze %dma_wait3A_165 : memref<1x8x2048xf32, #tpu.memory_space<hbm>> -> memref<8x2048xf32, #tpu.memory_space<hbm>>
      tpu.wait_dma2 semaphore(%arg13 : memref<!tpu.dma_semaphore, #tpu.memory_space<semaphore_mem>>) src(%dma_wait3A_166 : memref<8x2048xf32, #tpu.memory_space<hbm>>) dst(%arg7 : memref<8x2048xf32, #tpu.memory_space<vmem>>)
      %parallel_loop3A = arith.constant 0 : i32
      %parallel_loop3A_167 = arith.constant 2048 : i32
      %parallel_loop3A_168 = arith.constant 16 : i32
      %parallel_loop3A_169:16 = scf.for %parallel_loop3A_204 = %parallel_loop3A to %parallel_loop3A_167 step %parallel_loop3A_168 iter_args(%parallel_loop3A_205 = %scan3A_132, %parallel_loop3A_206 = %scan3A_133, %parallel_loop3A_207 = %scan3A_134, %parallel_loop3A_208 = %scan3A_135, %parallel_loop3A_209 = %scan3A_136, %parallel_loop3A_210 = %scan3A_137, %parallel_loop3A_211 = %scan3A_138, %parallel_loop3A_212 = %scan3A_139, %parallel_loop3A_213 = %scan3A_140, %parallel_loop3A_214 = %scan3A_141, %parallel_loop3A_215 = %scan3A_142, %parallel_loop3A_216 = %scan3A_143, %parallel_loop3A_217 = %scan3A_144, %parallel_loop3A_218 = %scan3A_145, %parallel_loop3A_219 = %scan3A_146, %parallel_loop3A_220 = %scan3A_147) -> (vector<16xf32>, vector<16xf32>, vector<16xf32>, vector<16xf32>, vector<16xf32>, vector<16xf32>, vector<16xf32>, vector<16xf32>, vector<16xf32>, vector<16xf32>, vector<16xf32>, vector<16xf32>, vector<16xf32>, vector<16xf32>, vector<16xf32>, vector<16xf32>)  : i32 {
        %parallel_loop3A_221 = arith.constant 0 : i32
        %parallel_loop3A_222 = arith.index_cast %parallel_loop3A_221 : i32 to index
        %parallel_loop3A_223 = arith.index_cast %parallel_loop3A_204 : i32 to index
        %parallel_loop3A_224 = tpu.vector_load %arg7[%parallel_loop3A_222, %parallel_loop3A_223] {strides = array<i32>} : memref<8x2048xf32, #tpu.memory_space<vmem>>, vector<1x16xf32>,
        %parallel_loop3A_225 = vector.shape_cast %parallel_loop3A_224 : vector<1x16xf32> to vector<16xf32>
        %parallel_loop3A_226 = arith.constant 0 : i32
        %parallel_loop3A_227 = arith.index_cast %parallel_loop3A_226 : i32 to index
        %parallel_loop3A_228 = arith.index_cast %parallel_loop3A_204 : i32 to index
        %parallel_loop3A_229 = tpu.vector_load %arg6[%parallel_loop3A_227, %parallel_loop3A_228] {strides = array<i32>} : memref<8x2048xf32, #tpu.memory_space<vmem>>, vector<1x16xf32>,
        %parallel_loop3A_230 = vector.shape_cast %parallel_loop3A_229 : vector<1x16xf32> to vector<16xf32>
        %parallel_loop3A_231 = arith.subf %parallel_loop3A_225, %parallel_loop3A_230 : vector<16xf32>
        %parallel_loop3A_232 = arith.constant 1.000000e+00 : f32
        %parallel_loop3A_233 = vector.broadcast %parallel_loop3A_232 : f32 to vector<16xf32>
        %parallel_loop3A_234 = arith.cmpf oge, %parallel_loop3A_225, %parallel_loop3A_233 : vector<16xf32>
        %parallel_loop3A_235 = arith.mulf %parallel_loop3A_231, %parallel_loop3A_231 : vector<16xf32>
        %parallel_loop3A_236 = arith.select %parallel_loop3A_234, %parallel_loop3A_235, %broadcast_in_dim3A_5 : vector<16xi1>, vector<16xf32>
        %parallel_loop3A_237 = arith.addf %parallel_loop3A_205, %parallel_loop3A_236 : vector<16xf32>
        %parallel_loop3A_238 = arith.select %parallel_loop3A_234, %broadcast_in_dim3A_7, %broadcast_in_dim3A_5 : vector<16xi1>, vector<16xf32>
        %parallel_loop3A_239 = arith.addf %parallel_loop3A_213, %parallel_loop3A_238 : vector<16xf32>
        %parallel_loop3A_240 = arith.constant 1 : i32
        %parallel_loop3A_241 = arith.index_cast %parallel_loop3A_240 : i32 to index
        %parallel_loop3A_242 = arith.index_cast %parallel_loop3A_204 : i32 to index
        %parallel_loop3A_243 = tpu.vector_load %arg7[%parallel_loop3A_241, %parallel_loop3A_242] {strides = array<i32>} : memref<8x2048xf32, #tpu.memory_space<vmem>>, vector<1x16xf32>,
        %parallel_loop3A_244 = vector.shape_cast %parallel_loop3A_243 : vector<1x16xf32> to vector<16xf32>
        %parallel_loop3A_245 = arith.constant 1 : i32
        %parallel_loop3A_246 = arith.index_cast %parallel_loop3A_245 : i32 to index
        %parallel_loop3A_247 = arith.index_cast %parallel_loop3A_204 : i32 to index
        %parallel_loop3A_248 = tpu.vector_load %arg6[%parallel_loop3A_246, %parallel_loop3A_247] {strides = array<i32>} : memref<8x2048xf32, #tpu.memory_space<vmem>>, vector<1x16xf32>,
        %parallel_loop3A_249 = vector.shape_cast %parallel_loop3A_248 : vector<1x16xf32> to vector<16xf32>
        %parallel_loop3A_250 = arith.subf %parallel_loop3A_244, %parallel_loop3A_249 : vector<16xf32>
        %parallel_loop3A_251 = arith.constant 1.000000e+00 : f32
        %parallel_loop3A_252 = vector.broadcast %parallel_loop3A_251 : f32 to vector<16xf32>
        %parallel_loop3A_253 = arith.cmpf oge, %parallel_loop3A_244, %parallel_loop3A_252 : vector<16xf32>
        %parallel_loop3A_254 = arith.mulf %parallel_loop3A_250, %parallel_loop3A_250 : vector<16xf32>
        %parallel_loop3A_255 = arith.select %parallel_loop3A_253, %parallel_loop3A_254, %broadcast_in_dim3A_5 : vector<16xi1>, vector<16xf32>
        %parallel_loop3A_256 = arith.addf %parallel_loop3A_206, %parallel_loop3A_255 : vector<16xf32>
        %parallel_loop3A_257 = arith.select %parallel_loop3A_253, %broadcast_in_dim3A_7, %broadcast_in_dim3A_5 : vector<16xi1>, vector<16xf32>
        %parallel_loop3A_258 = arith.addf %parallel_loop3A_214, %parallel_loop3A_257 : vector<16xf32>
        %parallel_loop3A_259 = arith.constant 2 : i32
        %parallel_loop3A_260 = arith.index_cast %parallel_loop3A_259 : i32 to index
        %parallel_loop3A_261 = arith.index_cast %parallel_loop3A_204 : i32 to index
        %parallel_loop3A_262 = tpu.vector_load %arg7[%parallel_loop3A_260, %parallel_loop3A_261] {strides = array<i32>} : memref<8x2048xf32, #tpu.memory_space<vmem>>, vector<1x16xf32>,
        %parallel_loop3A_263 = vector.shape_cast %parallel_loop3A_262 : vector<1x16xf32> to vector<16xf32>
        %parallel_loop3A_264 = arith.constant 2 : i32
        %parallel_loop3A_265 = arith.index_cast %parallel_loop3A_264 : i32 to index
        %parallel_loop3A_266 = arith.index_cast %parallel_loop3A_204 : i32 to index
        %parallel_loop3A_267 = tpu.vector_load %arg6[%parallel_loop3A_265, %parallel_loop3A_266] {strides = array<i32>} : memref<8x2048xf32, #tpu.memory_space<vmem>>, vector<1x16xf32>,
        %parallel_loop3A_268 = vector.shape_cast %parallel_loop3A_267 : vector<1x16xf32> to vector<16xf32>
        %parallel_loop3A_269 = arith.subf %parallel_loop3A_263, %parallel_loop3A_268 : vector<16xf32>
        %parallel_loop3A_270 = arith.constant 1.000000e+00 : f32
        %parallel_loop3A_271 = vector.broadcast %parallel_loop3A_270 : f32 to vector<16xf32>
        %parallel_loop3A_272 = arith.cmpf oge, %parallel_loop3A_263, %parallel_loop3A_271 : vector<16xf32>
        %parallel_loop3A_273 = arith.mulf %parallel_loop3A_269, %parallel_loop3A_269 : vector<16xf32>
        %parallel_loop3A_274 = arith.select %parallel_loop3A_272, %parallel_loop3A_273, %broadcast_in_dim3A_5 : vector<16xi1>, vector<16xf32>
        %parallel_loop3A_275 = arith.addf %parallel_loop3A_207, %parallel_loop3A_274 : vector<16xf32>
        %parallel_loop3A_276 = arith.select %parallel_loop3A_272, %broadcast_in_dim3A_7, %broadcast_in_dim3A_5 : vector<16xi1>, vector<16xf32>
        %parallel_loop3A_277 = arith.addf %parallel_loop3A_215, %parallel_loop3A_276 : vector<16xf32>
        %parallel_loop3A_278 = arith.constant 3 : i32
        %parallel_loop3A_279 = arith.index_cast %parallel_loop3A_278 : i32 to index
        %parallel_loop3A_280 = arith.index_cast %parallel_loop3A_204 : i32 to index
        %parallel_loop3A_281 = tpu.vector_load %arg7[%parallel_loop3A_279, %parallel_loop3A_280] {strides = array<i32>} : memref<8x2048xf32, #tpu.memory_space<vmem>>, vector<1x16xf32>,
        %parallel_loop3A_282 = vector.shape_cast %parallel_loop3A_281 : vector<1x16xf32> to vector<16xf32>
        %parallel_loop3A_283 = arith.constant 3 : i32
        %parallel_loop3A_284 = arith.index_cast %parallel_loop3A_283 : i32 to index
        %parallel_loop3A_285 = arith.index_cast %parallel_loop3A_204 : i32 to index
        %parallel_loop3A_286 = tpu.vector_load %arg6[%parallel_loop3A_284, %parallel_loop3A_285] {strides = array<i32>} : memref<8x2048xf32, #tpu.memory_space<vmem>>, vector<1x16xf32>,
        %parallel_loop3A_287 = vector.shape_cast %parallel_loop3A_286 : vector<1x16xf32> to vector<16xf32>
        %parallel_loop3A_288 = arith.subf %parallel_loop3A_282, %parallel_loop3A_287 : vector<16xf32>
        %parallel_loop3A_289 = arith.constant 1.000000e+00 : f32
        %parallel_loop3A_290 = vector.broadcast %parallel_loop3A_289 : f32 to vector<16xf32>
        %parallel_loop3A_291 = arith.cmpf oge, %parallel_loop3A_282, %parallel_loop3A_290 : vector<16xf32>
        %parallel_loop3A_292 = arith.mulf %parallel_loop3A_288, %parallel_loop3A_288 : vector<16xf32>
        %parallel_loop3A_293 = arith.select %parallel_loop3A_291, %parallel_loop3A_292, %broadcast_in_dim3A_5 : vector<16xi1>, vector<16xf32>
        %parallel_loop3A_294 = arith.addf %parallel_loop3A_208, %parallel_loop3A_293 : vector<16xf32>
        %parallel_loop3A_295 = arith.select %parallel_loop3A_291, %broadcast_in_dim3A_7, %broadcast_in_dim3A_5 : vector<16xi1>, vector<16xf32>
        %parallel_loop3A_296 = arith.addf %parallel_loop3A_216, %parallel_loop3A_295 : vector<16xf32>
        %parallel_loop3A_297 = arith.constant 4 : i32
        %parallel_loop3A_298 = arith.index_cast %parallel_loop3A_297 : i32 to index
        %parallel_loop3A_299 = arith.index_cast %parallel_loop3A_204 : i32 to index
        %parallel_loop3A_300 = tpu.vector_load %arg7[%parallel_loop3A_298, %parallel_loop3A_299] {strides = array<i32>} : memref<8x2048xf32, #tpu.memory_space<vmem>>, vector<1x16xf32>,
        %parallel_loop3A_301 = vector.shape_cast %parallel_loop3A_300 : vector<1x16xf32> to vector<16xf32>
        %parallel_loop3A_302 = arith.constant 4 : i32
        %parallel_loop3A_303 = arith.index_cast %parallel_loop3A_302 : i32 to index
        %parallel_loop3A_304 = arith.index_cast %parallel_loop3A_204 : i32 to index
        %parallel_loop3A_305 = tpu.vector_load %arg6[%parallel_loop3A_303, %parallel_loop3A_304] {strides = array<i32>} : memref<8x2048xf32, #tpu.memory_space<vmem>>, vector<1x16xf32>,
        %parallel_loop3A_306 = vector.shape_cast %parallel_loop3A_305 : vector<1x16xf32> to vector<16xf32>
        %parallel_loop3A_307 = arith.subf %parallel_loop3A_301, %parallel_loop3A_306 : vector<16xf32>
        %parallel_loop3A_308 = arith.constant 1.000000e+00 : f32
        %parallel_loop3A_309 = vector.broadcast %parallel_loop3A_308 : f32 to vector<16xf32>
        %parallel_loop3A_310 = arith.cmpf oge, %parallel_loop3A_301, %parallel_loop3A_309 : vector<16xf32>
        %parallel_loop3A_311 = arith.mulf %parallel_loop3A_307, %parallel_loop3A_307 : vector<16xf32>
        %parallel_loop3A_312 = arith.select %parallel_loop3A_310, %parallel_loop3A_311, %broadcast_in_dim3A_5 : vector<16xi1>, vector<16xf32>
        %parallel_loop3A_313 = arith.addf %parallel_loop3A_209, %parallel_loop3A_312 : vector<16xf32>
        %parallel_loop3A_314 = arith.select %parallel_loop3A_310, %broadcast_in_dim3A_7, %broadcast_in_dim3A_5 : vector<16xi1>, vector<16xf32>
        %parallel_loop3A_315 = arith.addf %parallel_loop3A_217, %parallel_loop3A_314 : vector<16xf32>
        %parallel_loop3A_316 = arith.constant 5 : i32
        %parallel_loop3A_317 = arith.index_cast %parallel_loop3A_316 : i32 to index
        %parallel_loop3A_318 = arith.index_cast %parallel_loop3A_204 : i32 to index
        %parallel_loop3A_319 = tpu.vector_load %arg7[%parallel_loop3A_317, %parallel_loop3A_318] {strides = array<i32>} : memref<8x2048xf32, #tpu.memory_space<vmem>>, vector<1x16xf32>,
        %parallel_loop3A_320 = vector.shape_cast %parallel_loop3A_319 : vector<1x16xf32> to vector<16xf32>
        %parallel_loop3A_321 = arith.constant 5 : i32
        %parallel_loop3A_322 = arith.index_cast %parallel_loop3A_321 : i32 to index
        %parallel_loop3A_323 = arith.index_cast %parallel_loop3A_204 : i32 to index
        %parallel_loop3A_324 = tpu.vector_load %arg6[%parallel_loop3A_322, %parallel_loop3A_323] {strides = array<i32>} : memref<8x2048xf32, #tpu.memory_space<vmem>>, vector<1x16xf32>,
        %parallel_loop3A_325 = vector.shape_cast %parallel_loop3A_324 : vector<1x16xf32> to vector<16xf32>
        %parallel_loop3A_326 = arith.subf %parallel_loop3A_320, %parallel_loop3A_325 : vector<16xf32>
        %parallel_loop3A_327 = arith.constant 1.000000e+00 : f32
        %parallel_loop3A_328 = vector.broadcast %parallel_loop3A_327 : f32 to vector<16xf32>
        %parallel_loop3A_329 = arith.cmpf oge, %parallel_loop3A_320, %parallel_loop3A_328 : vector<16xf32>
        %parallel_loop3A_330 = arith.mulf %parallel_loop3A_326, %parallel_loop3A_326 : vector<16xf32>
        %parallel_loop3A_331 = arith.select %parallel_loop3A_329, %parallel_loop3A_330, %broadcast_in_dim3A_5 : vector<16xi1>, vector<16xf32>
        %parallel_loop3A_332 = arith.addf %parallel_loop3A_210, %parallel_loop3A_331 : vector<16xf32>
        %parallel_loop3A_333 = arith.select %parallel_loop3A_329, %broadcast_in_dim3A_7, %broadcast_in_dim3A_5 : vector<16xi1>, vector<16xf32>
        %parallel_loop3A_334 = arith.addf %parallel_loop3A_218, %parallel_loop3A_333 : vector<16xf32>
        %parallel_loop3A_335 = arith.constant 6 : i32
        %parallel_loop3A_336 = arith.index_cast %parallel_loop3A_335 : i32 to index
        %parallel_loop3A_337 = arith.index_cast %parallel_loop3A_204 : i32 to index
        %parallel_loop3A_338 = tpu.vector_load %arg7[%parallel_loop3A_336, %parallel_loop3A_337] {strides = array<i32>} : memref<8x2048xf32, #tpu.memory_space<vmem>>, vector<1x16xf32>,
        %parallel_loop3A_339 = vector.shape_cast %parallel_loop3A_338 : vector<1x16xf32> to vector<16xf32>
        %parallel_loop3A_340 = arith.constant 6 : i32
        %parallel_loop3A_341 = arith.index_cast %parallel_loop3A_340 : i32 to index
        %parallel_loop3A_342 = arith.index_cast %parallel_loop3A_204 : i32 to index
        %parallel_loop3A_343 = tpu.vector_load %arg6[%parallel_loop3A_341, %parallel_loop3A_342] {strides = array<i32>} : memref<8x2048xf32, #tpu.memory_space<vmem>>, vector<1x16xf32>,
        %parallel_loop3A_344 = vector.shape_cast %parallel_loop3A_343 : vector<1x16xf32> to vector<16xf32>
        %parallel_loop3A_345 = arith.subf %parallel_loop3A_339, %parallel_loop3A_344 : vector<16xf32>
        %parallel_loop3A_346 = arith.constant 1.000000e+00 : f32
        %parallel_loop3A_347 = vector.broadcast %parallel_loop3A_346 : f32 to vector<16xf32>
        %parallel_loop3A_348 = arith.cmpf oge, %parallel_loop3A_339, %parallel_loop3A_347 : vector<16xf32>
        %parallel_loop3A_349 = arith.mulf %parallel_loop3A_345, %parallel_loop3A_345 : vector<16xf32>
        %parallel_loop3A_350 = arith.select %parallel_loop3A_348, %parallel_loop3A_349, %broadcast_in_dim3A_5 : vector<16xi1>, vector<16xf32>
        %parallel_loop3A_351 = arith.addf %parallel_loop3A_211, %parallel_loop3A_350 : vector<16xf32>
        %parallel_loop3A_352 = arith.select %parallel_loop3A_348, %broadcast_in_dim3A_7, %broadcast_in_dim3A_5 : vector<16xi1>, vector<16xf32>
        %parallel_loop3A_353 = arith.addf %parallel_loop3A_219, %parallel_loop3A_352 : vector<16xf32>
        %parallel_loop3A_354 = arith.constant 7 : i32
        %parallel_loop3A_355 = arith.index_cast %parallel_loop3A_354 : i32 to index
        %parallel_loop3A_356 = arith.index_cast %parallel_loop3A_204 : i32 to index
        %parallel_loop3A_357 = tpu.vector_load %arg7[%parallel_loop3A_355, %parallel_loop3A_356] {strides = array<i32>} : memref<8x2048xf32, #tpu.memory_space<vmem>>, vector<1x16xf32>,
        %parallel_loop3A_358 = vector.shape_cast %parallel_loop3A_357 : vector<1x16xf32> to vector<16xf32>
        %parallel_loop3A_359 = arith.constant 7 : i32
        %parallel_loop3A_360 = arith.index_cast %parallel_loop3A_359 : i32 to index
        %parallel_loop3A_361 = arith.index_cast %parallel_loop3A_204 : i32 to index
        %parallel_loop3A_362 = tpu.vector_load %arg6[%parallel_loop3A_360, %parallel_loop3A_361] {strides = array<i32>} : memref<8x2048xf32, #tpu.memory_space<vmem>>, vector<1x16xf32>,
        %parallel_loop3A_363 = vector.shape_cast %parallel_loop3A_362 : vector<1x16xf32> to vector<16xf32>
        %parallel_loop3A_364 = arith.subf %parallel_loop3A_358, %parallel_loop3A_363 : vector<16xf32>
        %parallel_loop3A_365 = arith.constant 1.000000e+00 : f32
        %parallel_loop3A_366 = vector.broadcast %parallel_loop3A_365 : f32 to vector<16xf32>
        %parallel_loop3A_367 = arith.cmpf oge, %parallel_loop3A_358, %parallel_loop3A_366 : vector<16xf32>
        %parallel_loop3A_368 = arith.mulf %parallel_loop3A_364, %parallel_loop3A_364 : vector<16xf32>
        %parallel_loop3A_369 = arith.select %parallel_loop3A_367, %parallel_loop3A_368, %broadcast_in_dim3A_5 : vector<16xi1>, vector<16xf32>
        %parallel_loop3A_370 = arith.addf %parallel_loop3A_212, %parallel_loop3A_369 : vector<16xf32>
        %parallel_loop3A_371 = arith.select %parallel_loop3A_367, %broadcast_in_dim3A_7, %broadcast_in_dim3A_5 : vector<16xi1>, vector<16xf32>
        %parallel_loop3A_372 = arith.addf %parallel_loop3A_220, %parallel_loop3A_371 : vector<16xf32>
        scf.yield %parallel_loop3A_237, %parallel_loop3A_256, %parallel_loop3A_275, %parallel_loop3A_294, %parallel_loop3A_313, %parallel_loop3A_332, %parallel_loop3A_351, %parallel_loop3A_370, %parallel_loop3A_239, %parallel_loop3A_258, %parallel_loop3A_277, %parallel_loop3A_296, %parallel_loop3A_315, %parallel_loop3A_334, %parallel_loop3A_353, %parallel_loop3A_372 : vector<16xf32>, vector<16xf32>, vector<16xf32>, vector<16xf32>, vector<16xf32>, vector<16xf32>, vector<16xf32>, vector<16xf32>, vector<16xf32>, vector<16xf32>, vector<16xf32>, vector<16xf32>, vector<16xf32>, vector<16xf32>, vector<16xf32>, vector<16xf32>
      } {sc.loop_unroll_factor = 1 : i64, sc.parallel_access}
      %add3A_170 = arith.constant 2 : i32
      %add3A_171 = arith.addi %mul3A_149, %add3A_170 : i32
      %lt3A_172 = arith.constant 24 : i32
      %lt3A_173 = arith.cmpi slt, %add3A_171, %lt3A_172 : i32
      %convert_element_type3A = arith.extui %lt3A_173 : i1 to i32
      %cond3A = arith.constant 0 : i32
      %cond3A_174 = arith.cmpi ne, %convert_element_type3A, %cond3A : i32
      scf.if %cond3A_174 {
        %add3A_204 = arith.constant 2 : i32
        %add3A_205 = arith.addi %mul3A_149, %add3A_204 : i32
        %mul3A_206 = arith.constant 8 : i32
        %mul3A_207 = arith.muli %add3A_205, %mul3A_206 : i32
        %add3A_208 = arith.addi %add3A_4, %mul3A_207 : i32
        %jit3A_209 = arith.constant 8192 : i32
        %div3A_210 = arith.divsi %add3A_208, %jit3A_209 : i32
        %sign3A_211 = arith.constant 0 : i32
        %sign3A_212 = arith.cmpi sgt, %add3A_208, %sign3A_211 : i32
        %sign3A_213 = arith.extui %sign3A_212 : i1 to i32
        %sign3A_214 = arith.constant 0 : i32
        %sign3A_215 = arith.cmpi slt, %add3A_208, %sign3A_214 : i32
        %sign3A_216 = arith.extui %sign3A_215 : i1 to i32
        %sign3A_217 = arith.subi %sign3A_213, %sign3A_216 : i32
        %sign3A_218 = arith.constant 0 : i32
        %sign3A_219 = arith.cmpi sgt, %jit3A_209, %sign3A_218 : i32
        %sign3A_220 = arith.extui %sign3A_219 : i1 to i32
        %sign3A_221 = arith.constant 0 : i32
        %sign3A_222 = arith.cmpi slt, %jit3A_209, %sign3A_221 : i32
        %sign3A_223 = arith.extui %sign3A_222 : i1 to i32
        %sign3A_224 = arith.subi %sign3A_220, %sign3A_223 : i32
        %ne3A_225 = arith.cmpi ne, %sign3A_217, %sign3A_224 : i32
        %rem3A_226 = arith.remsi %add3A_208, %jit3A_209 : i32
        %ne3A_227 = arith.constant 0 : i32
        %ne3A_228 = arith.cmpi ne, %rem3A_226, %ne3A_227 : i32
        %and3A_229 = arith.andi %ne3A_225, %ne3A_228 : i1
        %sub3A_230 = arith.constant 1 : i32
        %sub3A_231 = arith.subi %div3A_210, %sub3A_230 : i32
        %select_n3A_232 = arith.select %and3A_229, %sub3A_231, %div3A_210 : i32
        %jit3A_233 = arith.constant 8192 : i32
        %eq3A_234 = arith.constant 0 : i32
        %eq3A_235 = arith.cmpi eq, %jit3A_233, %eq3A_234 : i32
        %jit3A_236 = arith.constant 1 : i32
        %select_n3A_237 = arith.select %eq3A_235, %jit3A_236, %jit3A_233 : i32
        %rem3A_238 = arith.remsi %add3A_208, %select_n3A_237 : i32
        %ne3A_239 = arith.constant 0 : i32
        %ne3A_240 = arith.cmpi ne, %rem3A_238, %ne3A_239 : i32
        %lt3A_241 = arith.constant 0 : i32
        %lt3A_242 = arith.cmpi slt, %rem3A_238, %lt3A_241 : i32
        %lt3A_243 = arith.constant 0 : i32
        %lt3A_244 = arith.cmpi slt, %select_n3A_237, %lt3A_243 : i32
        %ne3A_245 = arith.xori %lt3A_242, %lt3A_244 : i1
        %and3A_246 = arith.andi %ne3A_245, %ne3A_240 : i1
        %add3A_247 = arith.addi %rem3A_238, %select_n3A_237 : i32
        %select_n3A_248 = arith.select %and3A_246, %add3A_247, %rem3A_238 : i32
        %dma_start3A_249 = arith.constant 0 : i32
        %dma_start3A_250 = tpu.memref_slice %arg2[%select_n3A_232, %select_n3A_248, %dma_start3A_249] : memref<2x8192x2048xf32, #tpu.memory_space<hbm>> -> memref<1x8x2048xf32, #tpu.memory_space<hbm>>
        %dma_start3A_251 = tpu.memref_squeeze %dma_start3A_250 : memref<1x8x2048xf32, #tpu.memory_space<hbm>> -> memref<8x2048xf32, #tpu.memory_space<hbm>>
        %dma_start3A_252 = arith.constant 0 : i32
        %dma_start3A_253 = tpu.memref_slice %arg2[%select_n3A_232, %select_n3A_248, %dma_start3A_252] : memref<2x8192x2048xf32, #tpu.memory_space<hbm>> -> memref<1x8x2048xf32, #tpu.memory_space<hbm>>
        %dma_start3A_254 = tpu.memref_squeeze %dma_start3A_253 : memref<1x8x2048xf32, #tpu.memory_space<hbm>> -> memref<8x2048xf32, #tpu.memory_space<hbm>>
        tpu.enqueue_dma source(%dma_start3A_254 : memref<8x2048xf32, #tpu.memory_space<hbm>>) target(%arg6 : memref<8x2048xf32, #tpu.memory_space<vmem>>) target_semaphore(%arg12 : memref<!tpu.dma_semaphore, #tpu.memory_space<semaphore_mem>>)
        %dma_start3A_255 = arith.constant 0 : i32
        %dma_start3A_256 = tpu.memref_slice %arg3[%select_n3A_232, %select_n3A_248, %dma_start3A_255] : memref<2x8192x2048xf32, #tpu.memory_space<hbm>> -> memref<1x8x2048xf32, #tpu.memory_space<hbm>>
        %dma_start3A_257 = tpu.memref_squeeze %dma_start3A_256 : memref<1x8x2048xf32, #tpu.memory_space<hbm>> -> memref<8x2048xf32, #tpu.memory_space<hbm>>
        %dma_start3A_258 = arith.constant 0 : i32
        %dma_start3A_259 = tpu.memref_slice %arg3[%select_n3A_232, %select_n3A_248, %dma_start3A_258] : memref<2x8192x2048xf32, #tpu.memory_space<hbm>> -> memref<1x8x2048xf32, #tpu.memory_space<hbm>>
        %dma_start3A_260 = tpu.memref_squeeze %dma_start3A_259 : memref<1x8x2048xf32, #tpu.memory_space<hbm>> -> memref<8x2048xf32, #tpu.memory_space<hbm>>
        tpu.enqueue_dma source(%dma_start3A_260 : memref<8x2048xf32, #tpu.memory_space<hbm>>) target(%arg7 : memref<8x2048xf32, #tpu.memory_space<vmem>>) target_semaphore(%arg13 : memref<!tpu.dma_semaphore, #tpu.memory_space<semaphore_mem>>)
      } else {
      }
      %dma_wait3A_175 = arith.constant 0 : i32
      %dma_wait3A_176 = arith.constant 0 : i32
      %dma_wait3A_177 = arith.constant 0 : i32
      %dma_wait3A_178 = tpu.memref_slice %arg2[%dma_wait3A_175, %dma_wait3A_176, %dma_wait3A_177] : memref<2x8192x2048xf32, #tpu.memory_space<hbm>> -> memref<1x8x2048xf32, #tpu.memory_space<hbm>>
      %dma_wait3A_179 = tpu.memref_squeeze %dma_wait3A_178 : memref<1x8x2048xf32, #tpu.memory_space<hbm>> -> memref<8x2048xf32, #tpu.memory_space<hbm>>
      %dma_wait3A_180 = arith.constant 0 : i32
      %dma_wait3A_181 = arith.constant 0 : i32
      %dma_wait3A_182 = tpu.memref_slice %arg2[%dma_wait3A_175, %dma_wait3A_180, %dma_wait3A_181] : memref<2x8192x2048xf32, #tpu.memory_space<hbm>> -> memref<1x8x2048xf32, #tpu.memory_space<hbm>>
      %dma_wait3A_183 = tpu.memref_squeeze %dma_wait3A_182 : memref<1x8x2048xf32, #tpu.memory_space<hbm>> -> memref<8x2048xf32, #tpu.memory_space<hbm>>
      tpu.wait_dma2 semaphore(%arg14 : memref<!tpu.dma_semaphore, #tpu.memory_space<semaphore_mem>>) src(%dma_wait3A_183 : memref<8x2048xf32, #tpu.memory_space<hbm>>) dst(%arg8 : memref<8x2048xf32, #tpu.memory_space<vmem>>)
      %dma_wait3A_184 = arith.constant 0 : i32
      %dma_wait3A_185 = arith.constant 0 : i32
      %dma_wait3A_186 = arith.constant 0 : i32
      %dma_wait3A_187 = tpu.memref_slice %arg3[%dma_wait3A_184, %dma_wait3A_185, %dma_wait3A_186] : memref<2x8192x2048xf32, #tpu.memory_space<hbm>> -> memref<1x8x2048xf32, #tpu.memory_space<hbm>>
      %dma_wait3A_188 = tpu.memref_squeeze %dma_wait3A_187 : memref<1x8x2048xf32, #tpu.memory_space<hbm>> -> memref<8x2048xf32, #tpu.memory_space<hbm>>
      %dma_wait3A_189 = arith.constant 0 : i32
      %dma_wait3A_190 = arith.constant 0 : i32
      %dma_wait3A_191 = tpu.memref_slice %arg3[%dma_wait3A_184, %dma_wait3A_189, %dma_wait3A_190] : memref<2x8192x2048xf32, #tpu.memory_space<hbm>> -> memref<1x8x2048xf32, #tpu.memory_space<hbm>>
      %dma_wait3A_192 = tpu.memref_squeeze %dma_wait3A_191 : memref<1x8x2048xf32, #tpu.memory_space<hbm>> -> memref<8x2048xf32, #tpu.memory_space<hbm>>
      tpu.wait_dma2 semaphore(%arg15 : memref<!tpu.dma_semaphore, #tpu.memory_space<semaphore_mem>>) src(%dma_wait3A_192 : memref<8x2048xf32, #tpu.memory_space<hbm>>) dst(%arg9 : memref<8x2048xf32, #tpu.memory_space<vmem>>)
      %parallel_loop3A_193 = arith.constant 0 : i32
      %parallel_loop3A_194 = arith.constant 2048 : i32
      %parallel_loop3A_195 = arith.constant 16 : i32
      %parallel_loop3A_196:16 = scf.for %parallel_loop3A_204 = %parallel_loop3A_193 to %parallel_loop3A_194 step %parallel_loop3A_195 iter_args(%parallel_loop3A_205 = %parallel_loop3A_169#0, %parallel_loop3A_206 = %parallel_loop3A_169#1, %parallel_loop3A_207 = %parallel_loop3A_169#2, %parallel_loop3A_208 = %parallel_loop3A_169#3, %parallel_loop3A_209 = %parallel_loop3A_169#4, %parallel_loop3A_210 = %parallel_loop3A_169#5, %parallel_loop3A_211 = %parallel_loop3A_169#6, %parallel_loop3A_212 = %parallel_loop3A_169#7, %parallel_loop3A_213 = %parallel_loop3A_169#8, %parallel_loop3A_214 = %parallel_loop3A_169#9, %parallel_loop3A_215 = %parallel_loop3A_169#10, %parallel_loop3A_216 = %parallel_loop3A_169#11, %parallel_loop3A_217 = %parallel_loop3A_169#12, %parallel_loop3A_218 = %parallel_loop3A_169#13, %parallel_loop3A_219 = %parallel_loop3A_169#14, %parallel_loop3A_220 = %parallel_loop3A_169#15) -> (vector<16xf32>, vector<16xf32>, vector<16xf32>, vector<16xf32>, vector<16xf32>, vector<16xf32>, vector<16xf32>, vector<16xf32>, vector<16xf32>, vector<16xf32>, vector<16xf32>, vector<16xf32>, vector<16xf32>, vector<16xf32>, vector<16xf32>, vector<16xf32>)  : i32 {
        %parallel_loop3A_221 = arith.constant 0 : i32
        %parallel_loop3A_222 = arith.index_cast %parallel_loop3A_221 : i32 to index
        %parallel_loop3A_223 = arith.index_cast %parallel_loop3A_204 : i32 to index
        %parallel_loop3A_224 = tpu.vector_load %arg9[%parallel_loop3A_222, %parallel_loop3A_223] {strides = array<i32>} : memref<8x2048xf32, #tpu.memory_space<vmem>>, vector<1x16xf32>,
        %parallel_loop3A_225 = vector.shape_cast %parallel_loop3A_224 : vector<1x16xf32> to vector<16xf32>
        %parallel_loop3A_226 = arith.constant 0 : i32
        %parallel_loop3A_227 = arith.index_cast %parallel_loop3A_226 : i32 to index
        %parallel_loop3A_228 = arith.index_cast %parallel_loop3A_204 : i32 to index
        %parallel_loop3A_229 = tpu.vector_load %arg8[%parallel_loop3A_227, %parallel_loop3A_228] {strides = array<i32>} : memref<8x2048xf32, #tpu.memory_space<vmem>>, vector<1x16xf32>,
        %parallel_loop3A_230 = vector.shape_cast %parallel_loop3A_229 : vector<1x16xf32> to vector<16xf32>
        %parallel_loop3A_231 = arith.subf %parallel_loop3A_225, %parallel_loop3A_230 : vector<16xf32>
        %parallel_loop3A_232 = arith.constant 1.000000e+00 : f32
        %parallel_loop3A_233 = vector.broadcast %parallel_loop3A_232 : f32 to vector<16xf32>
        %parallel_loop3A_234 = arith.cmpf oge, %parallel_loop3A_225, %parallel_loop3A_233 : vector<16xf32>
        %parallel_loop3A_235 = arith.mulf %parallel_loop3A_231, %parallel_loop3A_231 : vector<16xf32>
        %parallel_loop3A_236 = arith.select %parallel_loop3A_234, %parallel_loop3A_235, %broadcast_in_dim3A_5 : vector<16xi1>, vector<16xf32>
        %parallel_loop3A_237 = arith.addf %parallel_loop3A_205, %parallel_loop3A_236 : vector<16xf32>
        %parallel_loop3A_238 = arith.select %parallel_loop3A_234, %broadcast_in_dim3A_7, %broadcast_in_dim3A_5 : vector<16xi1>, vector<16xf32>
        %parallel_loop3A_239 = arith.addf %parallel_loop3A_213, %parallel_loop3A_238 : vector<16xf32>
        %parallel_loop3A_240 = arith.constant 1 : i32
        %parallel_loop3A_241 = arith.index_cast %parallel_loop3A_240 : i32 to index
        %parallel_loop3A_242 = arith.index_cast %parallel_loop3A_204 : i32 to index
        %parallel_loop3A_243 = tpu.vector_load %arg9[%parallel_loop3A_241, %parallel_loop3A_242] {strides = array<i32>} : memref<8x2048xf32, #tpu.memory_space<vmem>>, vector<1x16xf32>,
        %parallel_loop3A_244 = vector.shape_cast %parallel_loop3A_243 : vector<1x16xf32> to vector<16xf32>
        %parallel_loop3A_245 = arith.constant 1 : i32
        %parallel_loop3A_246 = arith.index_cast %parallel_loop3A_245 : i32 to index
        %parallel_loop3A_247 = arith.index_cast %parallel_loop3A_204 : i32 to index
        %parallel_loop3A_248 = tpu.vector_load %arg8[%parallel_loop3A_246, %parallel_loop3A_247] {strides = array<i32>} : memref<8x2048xf32, #tpu.memory_space<vmem>>, vector<1x16xf32>,
        %parallel_loop3A_249 = vector.shape_cast %parallel_loop3A_248 : vector<1x16xf32> to vector<16xf32>
        %parallel_loop3A_250 = arith.subf %parallel_loop3A_244, %parallel_loop3A_249 : vector<16xf32>
        %parallel_loop3A_251 = arith.constant 1.000000e+00 : f32
        %parallel_loop3A_252 = vector.broadcast %parallel_loop3A_251 : f32 to vector<16xf32>
        %parallel_loop3A_253 = arith.cmpf oge, %parallel_loop3A_244, %parallel_loop3A_252 : vector<16xf32>
        %parallel_loop3A_254 = arith.mulf %parallel_loop3A_250, %parallel_loop3A_250 : vector<16xf32>
        %parallel_loop3A_255 = arith.select %parallel_loop3A_253, %parallel_loop3A_254, %broadcast_in_dim3A_5 : vector<16xi1>, vector<16xf32>
        %parallel_loop3A_256 = arith.addf %parallel_loop3A_206, %parallel_loop3A_255 : vector<16xf32>
        %parallel_loop3A_257 = arith.select %parallel_loop3A_253, %broadcast_in_dim3A_7, %broadcast_in_dim3A_5 : vector<16xi1>, vector<16xf32>
        %parallel_loop3A_258 = arith.addf %parallel_loop3A_214, %parallel_loop3A_257 : vector<16xf32>
        %parallel_loop3A_259 = arith.constant 2 : i32
        %parallel_loop3A_260 = arith.index_cast %parallel_loop3A_259 : i32 to index
        %parallel_loop3A_261 = arith.index_cast %parallel_loop3A_204 : i32 to index
        %parallel_loop3A_262 = tpu.vector_load %arg9[%parallel_loop3A_260, %parallel_loop3A_261] {strides = array<i32>} : memref<8x2048xf32, #tpu.memory_space<vmem>>, vector<1x16xf32>,
        %parallel_loop3A_263 = vector.shape_cast %parallel_loop3A_262 : vector<1x16xf32> to vector<16xf32>
        %parallel_loop3A_264 = arith.constant 2 : i32
        %parallel_loop3A_265 = arith.index_cast %parallel_loop3A_264 : i32 to index
        %parallel_loop3A_266 = arith.index_cast %parallel_loop3A_204 : i32 to index
        %parallel_loop3A_267 = tpu.vector_load %arg8[%parallel_loop3A_265, %parallel_loop3A_266] {strides = array<i32>} : memref<8x2048xf32, #tpu.memory_space<vmem>>, vector<1x16xf32>,
        %parallel_loop3A_268 = vector.shape_cast %parallel_loop3A_267 : vector<1x16xf32> to vector<16xf32>
        %parallel_loop3A_269 = arith.subf %parallel_loop3A_263, %parallel_loop3A_268 : vector<16xf32>
        %parallel_loop3A_270 = arith.constant 1.000000e+00 : f32
        %parallel_loop3A_271 = vector.broadcast %parallel_loop3A_270 : f32 to vector<16xf32>
        %parallel_loop3A_272 = arith.cmpf oge, %parallel_loop3A_263, %parallel_loop3A_271 : vector<16xf32>
        %parallel_loop3A_273 = arith.mulf %parallel_loop3A_269, %parallel_loop3A_269 : vector<16xf32>
        %parallel_loop3A_274 = arith.select %parallel_loop3A_272, %parallel_loop3A_273, %broadcast_in_dim3A_5 : vector<16xi1>, vector<16xf32>
        %parallel_loop3A_275 = arith.addf %parallel_loop3A_207, %parallel_loop3A_274 : vector<16xf32>
        %parallel_loop3A_276 = arith.select %parallel_loop3A_272, %broadcast_in_dim3A_7, %broadcast_in_dim3A_5 : vector<16xi1>, vector<16xf32>
        %parallel_loop3A_277 = arith.addf %parallel_loop3A_215, %parallel_loop3A_276 : vector<16xf32>
        %parallel_loop3A_278 = arith.constant 3 : i32
        %parallel_loop3A_279 = arith.index_cast %parallel_loop3A_278 : i32 to index
        %parallel_loop3A_280 = arith.index_cast %parallel_loop3A_204 : i32 to index
        %parallel_loop3A_281 = tpu.vector_load %arg9[%parallel_loop3A_279, %parallel_loop3A_280] {strides = array<i32>} : memref<8x2048xf32, #tpu.memory_space<vmem>>, vector<1x16xf32>,
        %parallel_loop3A_282 = vector.shape_cast %parallel_loop3A_281 : vector<1x16xf32> to vector<16xf32>
        %parallel_loop3A_283 = arith.constant 3 : i32
        %parallel_loop3A_284 = arith.index_cast %parallel_loop3A_283 : i32 to index
        %parallel_loop3A_285 = arith.index_cast %parallel_loop3A_204 : i32 to index
        %parallel_loop3A_286 = tpu.vector_load %arg8[%parallel_loop3A_284, %parallel_loop3A_285] {strides = array<i32>} : memref<8x2048xf32, #tpu.memory_space<vmem>>, vector<1x16xf32>,
        %parallel_loop3A_287 = vector.shape_cast %parallel_loop3A_286 : vector<1x16xf32> to vector<16xf32>
        %parallel_loop3A_288 = arith.subf %parallel_loop3A_282, %parallel_loop3A_287 : vector<16xf32>
        %parallel_loop3A_289 = arith.constant 1.000000e+00 : f32
        %parallel_loop3A_290 = vector.broadcast %parallel_loop3A_289 : f32 to vector<16xf32>
        %parallel_loop3A_291 = arith.cmpf oge, %parallel_loop3A_282, %parallel_loop3A_290 : vector<16xf32>
        %parallel_loop3A_292 = arith.mulf %parallel_loop3A_288, %parallel_loop3A_288 : vector<16xf32>
        %parallel_loop3A_293 = arith.select %parallel_loop3A_291, %parallel_loop3A_292, %broadcast_in_dim3A_5 : vector<16xi1>, vector<16xf32>
        %parallel_loop3A_294 = arith.addf %parallel_loop3A_208, %parallel_loop3A_293 : vector<16xf32>
        %parallel_loop3A_295 = arith.select %parallel_loop3A_291, %broadcast_in_dim3A_7, %broadcast_in_dim3A_5 : vector<16xi1>, vector<16xf32>
        %parallel_loop3A_296 = arith.addf %parallel_loop3A_216, %parallel_loop3A_295 : vector<16xf32>
        %parallel_loop3A_297 = arith.constant 4 : i32
        %parallel_loop3A_298 = arith.index_cast %parallel_loop3A_297 : i32 to index
        %parallel_loop3A_299 = arith.index_cast %parallel_loop3A_204 : i32 to index
        %parallel_loop3A_300 = tpu.vector_load %arg9[%parallel_loop3A_298, %parallel_loop3A_299] {strides = array<i32>} : memref<8x2048xf32, #tpu.memory_space<vmem>>, vector<1x16xf32>,
        %parallel_loop3A_301 = vector.shape_cast %parallel_loop3A_300 : vector<1x16xf32> to vector<16xf32>
        %parallel_loop3A_302 = arith.constant 4 : i32
        %parallel_loop3A_303 = arith.index_cast %parallel_loop3A_302 : i32 to index
        %parallel_loop3A_304 = arith.index_cast %parallel_loop3A_204 : i32 to index
        %parallel_loop3A_305 = tpu.vector_load %arg8[%parallel_loop3A_303, %parallel_loop3A_304] {strides = array<i32>} : memref<8x2048xf32, #tpu.memory_space<vmem>>, vector<1x16xf32>,
        %parallel_loop3A_306 = vector.shape_cast %parallel_loop3A_305 : vector<1x16xf32> to vector<16xf32>
        %parallel_loop3A_307 = arith.subf %parallel_loop3A_301, %parallel_loop3A_306 : vector<16xf32>
        %parallel_loop3A_308 = arith.constant 1.000000e+00 : f32
        %parallel_loop3A_309 = vector.broadcast %parallel_loop3A_308 : f32 to vector<16xf32>
        %parallel_loop3A_310 = arith.cmpf oge, %parallel_loop3A_301, %parallel_loop3A_309 : vector<16xf32>
        %parallel_loop3A_311 = arith.mulf %parallel_loop3A_307, %parallel_loop3A_307 : vector<16xf32>
        %parallel_loop3A_312 = arith.select %parallel_loop3A_310, %parallel_loop3A_311, %broadcast_in_dim3A_5 : vector<16xi1>, vector<16xf32>
        %parallel_loop3A_313 = arith.addf %parallel_loop3A_209, %parallel_loop3A_312 : vector<16xf32>
        %parallel_loop3A_314 = arith.select %parallel_loop3A_310, %broadcast_in_dim3A_7, %broadcast_in_dim3A_5 : vector<16xi1>, vector<16xf32>
        %parallel_loop3A_315 = arith.addf %parallel_loop3A_217, %parallel_loop3A_314 : vector<16xf32>
        %parallel_loop3A_316 = arith.constant 5 : i32
        %parallel_loop3A_317 = arith.index_cast %parallel_loop3A_316 : i32 to index
        %parallel_loop3A_318 = arith.index_cast %parallel_loop3A_204 : i32 to index
        %parallel_loop3A_319 = tpu.vector_load %arg9[%parallel_loop3A_317, %parallel_loop3A_318] {strides = array<i32>} : memref<8x2048xf32, #tpu.memory_space<vmem>>, vector<1x16xf32>,
        %parallel_loop3A_320 = vector.shape_cast %parallel_loop3A_319 : vector<1x16xf32> to vector<16xf32>
        %parallel_loop3A_321 = arith.constant 5 : i32
        %parallel_loop3A_322 = arith.index_cast %parallel_loop3A_321 : i32 to index
        %parallel_loop3A_323 = arith.index_cast %parallel_loop3A_204 : i32 to index
        %parallel_loop3A_324 = tpu.vector_load %arg8[%parallel_loop3A_322, %parallel_loop3A_323] {strides = array<i32>} : memref<8x2048xf32, #tpu.memory_space<vmem>>, vector<1x16xf32>,
        %parallel_loop3A_325 = vector.shape_cast %parallel_loop3A_324 : vector<1x16xf32> to vector<16xf32>
        %parallel_loop3A_326 = arith.subf %parallel_loop3A_320, %parallel_loop3A_325 : vector<16xf32>
        %parallel_loop3A_327 = arith.constant 1.000000e+00 : f32
        %parallel_loop3A_328 = vector.broadcast %parallel_loop3A_327 : f32 to vector<16xf32>
        %parallel_loop3A_329 = arith.cmpf oge, %parallel_loop3A_320, %parallel_loop3A_328 : vector<16xf32>
        %parallel_loop3A_330 = arith.mulf %parallel_loop3A_326, %parallel_loop3A_326 : vector<16xf32>
        %parallel_loop3A_331 = arith.select %parallel_loop3A_329, %parallel_loop3A_330, %broadcast_in_dim3A_5 : vector<16xi1>, vector<16xf32>
        %parallel_loop3A_332 = arith.addf %parallel_loop3A_210, %parallel_loop3A_331 : vector<16xf32>
        %parallel_loop3A_333 = arith.select %parallel_loop3A_329, %broadcast_in_dim3A_7, %broadcast_in_dim3A_5 : vector<16xi1>, vector<16xf32>
        %parallel_loop3A_334 = arith.addf %parallel_loop3A_218, %parallel_loop3A_333 : vector<16xf32>
        %parallel_loop3A_335 = arith.constant 6 : i32
        %parallel_loop3A_336 = arith.index_cast %parallel_loop3A_335 : i32 to index
        %parallel_loop3A_337 = arith.index_cast %parallel_loop3A_204 : i32 to index
        %parallel_loop3A_338 = tpu.vector_load %arg9[%parallel_loop3A_336, %parallel_loop3A_337] {strides = array<i32>} : memref<8x2048xf32, #tpu.memory_space<vmem>>, vector<1x16xf32>,
        %parallel_loop3A_339 = vector.shape_cast %parallel_loop3A_338 : vector<1x16xf32> to vector<16xf32>
        %parallel_loop3A_340 = arith.constant 6 : i32
        %parallel_loop3A_341 = arith.index_cast %parallel_loop3A_340 : i32 to index
        %parallel_loop3A_342 = arith.index_cast %parallel_loop3A_204 : i32 to index
        %parallel_loop3A_343 = tpu.vector_load %arg8[%parallel_loop3A_341, %parallel_loop3A_342] {strides = array<i32>} : memref<8x2048xf32, #tpu.memory_space<vmem>>, vector<1x16xf32>,
        %parallel_loop3A_344 = vector.shape_cast %parallel_loop3A_343 : vector<1x16xf32> to vector<16xf32>
        %parallel_loop3A_345 = arith.subf %parallel_loop3A_339, %parallel_loop3A_344 : vector<16xf32>
        %parallel_loop3A_346 = arith.constant 1.000000e+00 : f32
        %parallel_loop3A_347 = vector.broadcast %parallel_loop3A_346 : f32 to vector<16xf32>
        %parallel_loop3A_348 = arith.cmpf oge, %parallel_loop3A_339, %parallel_loop3A_347 : vector<16xf32>
        %parallel_loop3A_349 = arith.mulf %parallel_loop3A_345, %parallel_loop3A_345 : vector<16xf32>
        %parallel_loop3A_350 = arith.select %parallel_loop3A_348, %parallel_loop3A_349, %broadcast_in_dim3A_5 : vector<16xi1>, vector<16xf32>
        %parallel_loop3A_351 = arith.addf %parallel_loop3A_211, %parallel_loop3A_350 : vector<16xf32>
        %parallel_loop3A_352 = arith.select %parallel_loop3A_348, %broadcast_in_dim3A_7, %broadcast_in_dim3A_5 : vector<16xi1>, vector<16xf32>
        %parallel_loop3A_353 = arith.addf %parallel_loop3A_219, %parallel_loop3A_352 : vector<16xf32>
        %parallel_loop3A_354 = arith.constant 7 : i32
        %parallel_loop3A_355 = arith.index_cast %parallel_loop3A_354 : i32 to index
        %parallel_loop3A_356 = arith.index_cast %parallel_loop3A_204 : i32 to index
        %parallel_loop3A_357 = tpu.vector_load %arg9[%parallel_loop3A_355, %parallel_loop3A_356] {strides = array<i32>} : memref<8x2048xf32, #tpu.memory_space<vmem>>, vector<1x16xf32>,
        %parallel_loop3A_358 = vector.shape_cast %parallel_loop3A_357 : vector<1x16xf32> to vector<16xf32>
        %parallel_loop3A_359 = arith.constant 7 : i32
        %parallel_loop3A_360 = arith.index_cast %parallel_loop3A_359 : i32 to index
        %parallel_loop3A_361 = arith.index_cast %parallel_loop3A_204 : i32 to index
        %parallel_loop3A_362 = tpu.vector_load %arg8[%parallel_loop3A_360, %parallel_loop3A_361] {strides = array<i32>} : memref<8x2048xf32, #tpu.memory_space<vmem>>, vector<1x16xf32>,
        %parallel_loop3A_363 = vector.shape_cast %parallel_loop3A_362 : vector<1x16xf32> to vector<16xf32>
        %parallel_loop3A_364 = arith.subf %parallel_loop3A_358, %parallel_loop3A_363 : vector<16xf32>
        %parallel_loop3A_365 = arith.constant 1.000000e+00 : f32
        %parallel_loop3A_366 = vector.broadcast %parallel_loop3A_365 : f32 to vector<16xf32>
        %parallel_loop3A_367 = arith.cmpf oge, %parallel_loop3A_358, %parallel_loop3A_366 : vector<16xf32>
        %parallel_loop3A_368 = arith.mulf %parallel_loop3A_364, %parallel_loop3A_364 : vector<16xf32>
        %parallel_loop3A_369 = arith.select %parallel_loop3A_367, %parallel_loop3A_368, %broadcast_in_dim3A_5 : vector<16xi1>, vector<16xf32>
        %parallel_loop3A_370 = arith.addf %parallel_loop3A_212, %parallel_loop3A_369 : vector<16xf32>
        %parallel_loop3A_371 = arith.select %parallel_loop3A_367, %broadcast_in_dim3A_7, %broadcast_in_dim3A_5 : vector<16xi1>, vector<16xf32>
        %parallel_loop3A_372 = arith.addf %parallel_loop3A_220, %parallel_loop3A_371 : vector<16xf32>
        scf.yield %parallel_loop3A_237, %parallel_loop3A_256, %parallel_loop3A_275, %parallel_loop3A_294, %parallel_loop3A_313, %parallel_loop3A_332, %parallel_loop3A_351, %parallel_loop3A_370, %parallel_loop3A_239, %parallel_loop3A_258, %parallel_loop3A_277, %parallel_loop3A_296, %parallel_loop3A_315, %parallel_loop3A_334, %parallel_loop3A_353, %parallel_loop3A_372 : vector<16xf32>, vector<16xf32>, vector<16xf32>, vector<16xf32>, vector<16xf32>, vector<16xf32>, vector<16xf32>, vector<16xf32>, vector<16xf32>, vector<16xf32>, vector<16xf32>, vector<16xf32>, vector<16xf32>, vector<16xf32>, vector<16xf32>, vector<16xf32>
      } {sc.loop_unroll_factor = 1 : i64, sc.parallel_access}
      %add3A_197 = arith.constant 3 : i32
      %add3A_198 = arith.addi %mul3A_149, %add3A_197 : i32
      %lt3A_199 = arith.constant 24 : i32
      %lt3A_200 = arith.cmpi slt, %add3A_198, %lt3A_199 : i32
      %convert_element_type3A_201 = arith.extui %lt3A_200 : i1 to i32
      %cond3A_202 = arith.constant 0 : i32
      %cond3A_203 = arith.cmpi ne, %convert_element_type3A_201, %cond3A_202 : i32
      scf.if %cond3A_203 {
        %add3A_204 = arith.constant 3 : i32
        %add3A_205 = arith.addi %mul3A_149, %add3A_204 : i32
        %mul3A_206 = arith.constant 8 : i32
        %mul3A_207 = arith.muli %add3A_205, %mul3A_206 : i32
        %add3A_208 = arith.addi %add3A_4, %mul3A_207 : i32
        %jit3A_209 = arith.constant 8192 : i32
        %div3A_210 = arith.divsi %add3A_208, %jit3A_209 : i32
        %sign3A_211 = arith.constant 0 : i32
        %sign3A_212 = arith.cmpi sgt, %add3A_208, %sign3A_211 : i32
        %sign3A_213 = arith.extui %sign3A_212 : i1 to i32
        %sign3A_214 = arith.constant 0 : i32
        %sign3A_215 = arith.cmpi slt, %add3A_208, %sign3A_214 : i32
        %sign3A_216 = arith.extui %sign3A_215 : i1 to i32
        %sign3A_217 = arith.subi %sign3A_213, %sign3A_216 : i32
        %sign3A_218 = arith.constant 0 : i32
        %sign3A_219 = arith.cmpi sgt, %jit3A_209, %sign3A_218 : i32
        %sign3A_220 = arith.extui %sign3A_219 : i1 to i32
        %sign3A_221 = arith.constant 0 : i32
        %sign3A_222 = arith.cmpi slt, %jit3A_209, %sign3A_221 : i32
        %sign3A_223 = arith.extui %sign3A_222 : i1 to i32
        %sign3A_224 = arith.subi %sign3A_220, %sign3A_223 : i32
        %ne3A_225 = arith.cmpi ne, %sign3A_217, %sign3A_224 : i32
        %rem3A_226 = arith.remsi %add3A_208, %jit3A_209 : i32
        %ne3A_227 = arith.constant 0 : i32
        %ne3A_228 = arith.cmpi ne, %rem3A_226, %ne3A_227 : i32
        %and3A_229 = arith.andi %ne3A_225, %ne3A_228 : i1
        %sub3A_230 = arith.constant 1 : i32
        %sub3A_231 = arith.subi %div3A_210, %sub3A_230 : i32
        %select_n3A_232 = arith.select %and3A_229, %sub3A_231, %div3A_210 : i32
        %jit3A_233 = arith.constant 8192 : i32
        %eq3A_234 = arith.constant 0 : i32
        %eq3A_235 = arith.cmpi eq, %jit3A_233, %eq3A_234 : i32
        %jit3A_236 = arith.constant 1 : i32
        %select_n3A_237 = arith.select %eq3A_235, %jit3A_236, %jit3A_233 : i32
        %rem3A_238 = arith.remsi %add3A_208, %select_n3A_237 : i32
        %ne3A_239 = arith.constant 0 : i32
        %ne3A_240 = arith.cmpi ne, %rem3A_238, %ne3A_239 : i32
        %lt3A_241 = arith.constant 0 : i32
        %lt3A_242 = arith.cmpi slt, %rem3A_238, %lt3A_241 : i32
        %lt3A_243 = arith.constant 0 : i32
        %lt3A_244 = arith.cmpi slt, %select_n3A_237, %lt3A_243 : i32
        %ne3A_245 = arith.xori %lt3A_242, %lt3A_244 : i1
        %and3A_246 = arith.andi %ne3A_245, %ne3A_240 : i1
        %add3A_247 = arith.addi %rem3A_238, %select_n3A_237 : i32
        %select_n3A_248 = arith.select %and3A_246, %add3A_247, %rem3A_238 : i32
        %dma_start3A_249 = arith.constant 0 : i32
        %dma_start3A_250 = tpu.memref_slice %arg2[%select_n3A_232, %select_n3A_248, %dma_start3A_249] : memref<2x8192x2048xf32, #tpu.memory_space<hbm>> -> memref<1x8x2048xf32, #tpu.memory_space<hbm>>
        %dma_start3A_251 = tpu.memref_squeeze %dma_start3A_250 : memref<1x8x2048xf32, #tpu.memory_space<hbm>> -> memref<8x2048xf32, #tpu.memory_space<hbm>>
        %dma_start3A_252 = arith.constant 0 : i32
        %dma_start3A_253 = tpu.memref_slice %arg2[%select_n3A_232, %select_n3A_248, %dma_start3A_252] : memref<2x8192x2048xf32, #tpu.memory_space<hbm>> -> memref<1x8x2048xf32, #tpu.memory_space<hbm>>
        %dma_start3A_254 = tpu.memref_squeeze %dma_start3A_253 : memref<1x8x2048xf32, #tpu.memory_space<hbm>> -> memref<8x2048xf32, #tpu.memory_space<hbm>>
        tpu.enqueue_dma source(%dma_start3A_254 : memref<8x2048xf32, #tpu.memory_space<hbm>>) target(%arg8 : memref<8x2048xf32, #tpu.memory_space<vmem>>) target_semaphore(%arg14 : memref<!tpu.dma_semaphore, #tpu.memory_space<semaphore_mem>>)
        %dma_start3A_255 = arith.constant 0 : i32
        %dma_start3A_256 = tpu.memref_slice %arg3[%select_n3A_232, %select_n3A_248, %dma_start3A_255] : memref<2x8192x2048xf32, #tpu.memory_space<hbm>> -> memref<1x8x2048xf32, #tpu.memory_space<hbm>>
        %dma_start3A_257 = tpu.memref_squeeze %dma_start3A_256 : memref<1x8x2048xf32, #tpu.memory_space<hbm>> -> memref<8x2048xf32, #tpu.memory_space<hbm>>
        %dma_start3A_258 = arith.constant 0 : i32
        %dma_start3A_259 = tpu.memref_slice %arg3[%select_n3A_232, %select_n3A_248, %dma_start3A_258] : memref<2x8192x2048xf32, #tpu.memory_space<hbm>> -> memref<1x8x2048xf32, #tpu.memory_space<hbm>>
        %dma_start3A_260 = tpu.memref_squeeze %dma_start3A_259 : memref<1x8x2048xf32, #tpu.memory_space<hbm>> -> memref<8x2048xf32, #tpu.memory_space<hbm>>
        tpu.enqueue_dma source(%dma_start3A_260 : memref<8x2048xf32, #tpu.memory_space<hbm>>) target(%arg9 : memref<8x2048xf32, #tpu.memory_space<vmem>>) target_semaphore(%arg15 : memref<!tpu.dma_semaphore, #tpu.memory_space<semaphore_mem>>)
      } else {
      }
      scf.yield %parallel_loop3A_196#0, %parallel_loop3A_196#1, %parallel_loop3A_196#2, %parallel_loop3A_196#3, %parallel_loop3A_196#4, %parallel_loop3A_196#5, %parallel_loop3A_196#6, %parallel_loop3A_196#7, %parallel_loop3A_196#8, %parallel_loop3A_196#9, %parallel_loop3A_196#10, %parallel_loop3A_196#11, %parallel_loop3A_196#12, %parallel_loop3A_196#13, %parallel_loop3A_196#14, %parallel_loop3A_196#15 : vector<16xf32>, vector<16xf32>, vector<16xf32>, vector<16xf32>, vector<16xf32>, vector<16xf32>, vector<16xf32>, vector<16xf32>, vector<16xf32>, vector<16xf32>, vector<16xf32>, vector<16xf32>, vector<16xf32>, vector<16xf32>, vector<16xf32>, vector<16xf32>
    }
    %scan3A_109 = arith.constant 12 : i32
    %add3A_110 = arith.addf %scan3A_108#0, %scan3A_108#1 : vector<16xf32>
    %add3A_111 = arith.addf %add3A_110, %scan3A_108#2 : vector<16xf32>
    %add3A_112 = arith.addf %add3A_111, %scan3A_108#3 : vector<16xf32>
    %add3A_113 = arith.addf %add3A_112, %scan3A_108#4 : vector<16xf32>
    %add3A_114 = arith.addf %add3A_113, %scan3A_108#5 : vector<16xf32>
    %add3A_115 = arith.addf %add3A_114, %scan3A_108#6 : vector<16xf32>
    %add3A_116 = arith.addf %add3A_115, %scan3A_108#7 : vector<16xf32>
    %swap3A = arith.constant 0 : index
    %swap3A_117 = tpu.vector_load %arg10[%swap3A] {strides = array<i32>} : memref<16xf32, #tpu.memory_space<vmem>>, vector<16xf32>,
    %swap3A_118 = vector.shape_cast %swap3A_117 : vector<16xf32> to vector<16xf32>
    %swap3A_119 = vector.shape_cast %add3A_116 : vector<16xf32> to vector<16xf32>
    tpu.vector_store %arg10[%swap3A], %swap3A_119 {strides = array<i32>} : memref<16xf32, #tpu.memory_space<vmem>>, vector<16xf32>,
    "tpu.region"() ({
      %run_scoped3A = tpu.sem_alloc : memref<!tpu.dma_semaphore, #tpu.memory_space<semaphore_mem>>
      %dma_start3A_131 = arith.constant 0 : i32
      %dma_start3A_132 = tpu.memref_slice %arg4[%add3A, %dma_start3A_131] : memref<32x16xf32, #tpu.memory_space<hbm>> -> memref<1x16xf32, #tpu.memory_space<hbm>>
      %dma_start3A_133 = tpu.memref_squeeze %dma_start3A_132 : memref<1x16xf32, #tpu.memory_space<hbm>> -> memref<16xf32, #tpu.memory_space<hbm>>
      %dma_start3A_134 = arith.constant 0 : i32
      %dma_start3A_135 = tpu.memref_slice %arg4[%add3A, %dma_start3A_134] : memref<32x16xf32, #tpu.memory_space<hbm>> -> memref<1x16xf32, #tpu.memory_space<hbm>>
      %dma_start3A_136 = tpu.memref_squeeze %dma_start3A_135 : memref<1x16xf32, #tpu.memory_space<hbm>> -> memref<16xf32, #tpu.memory_space<hbm>>
      tpu.enqueue_dma source(%arg10 : memref<16xf32, #tpu.memory_space<vmem>>) target(%dma_start3A_136 : memref<16xf32, #tpu.memory_space<hbm>>) target_semaphore(%run_scoped3A : memref<!tpu.dma_semaphore, #tpu.memory_space<semaphore_mem>>)
      %dma_wait3A = arith.constant 0 : i32
      %dma_wait3A_137 = tpu.memref_slice %arg4[%add3A, %dma_wait3A] : memref<32x16xf32, #tpu.memory_space<hbm>> -> memref<1x16xf32, #tpu.memory_space<hbm>>
      %dma_wait3A_138 = tpu.memref_squeeze %dma_wait3A_137 : memref<1x16xf32, #tpu.memory_space<hbm>> -> memref<16xf32, #tpu.memory_space<hbm>>
      %dma_wait3A_139 = arith.constant 0 : i32
      %dma_wait3A_140 = tpu.memref_slice %arg4[%add3A, %dma_wait3A_139] : memref<32x16xf32, #tpu.memory_space<hbm>> -> memref<1x16xf32, #tpu.memory_space<hbm>>
      %dma_wait3A_141 = tpu.memref_squeeze %dma_wait3A_140 : memref<1x16xf32, #tpu.memory_space<hbm>> -> memref<16xf32, #tpu.memory_space<hbm>>
      tpu.wait_dma2 semaphore(%run_scoped3A : memref<!tpu.dma_semaphore, #tpu.memory_space<semaphore_mem>>) src(%arg10 : memref<16xf32, #tpu.memory_space<vmem>>) dst(%dma_wait3A_141 : memref<16xf32, #tpu.memory_space<hbm>>)
      tpu.yield
    }) : () -> ()
    %add3A_120 = arith.addf %scan3A_108#8, %scan3A_108#9 : vector<16xf32>
    %add3A_121 = arith.addf %add3A_120, %scan3A_108#10 : vector<16xf32>
    %add3A_122 = arith.addf %add3A_121, %scan3A_108#11 : vector<16xf32>
    %add3A_123 = arith.addf %add3A_122, %scan3A_108#12 : vector<16xf32>
    %add3A_124 = arith.addf %add3A_123, %scan3A_108#13 : vector<16xf32>
    %add3A_125 = arith.addf %add3A_124, %scan3A_108#14 : vector<16xf32>
    %add3A_126 = arith.addf %add3A_125, %scan3A_108#15 : vector<16xf32>
    %swap3A_127 = arith.constant 0 : index
    %swap3A_128 = tpu.vector_load %arg11[%swap3A_127] {strides = array<i32>} : memref<16xf32, #tpu.memory_space<vmem>>, vector<16xf32>,
    %swap3A_129 = vector.shape_cast %swap3A_128 : vector<16xf32> to vector<16xf32>
    %swap3A_130 = vector.shape_cast %add3A_126 : vector<16xf32> to vector<16xf32>
    tpu.vector_store %arg11[%swap3A_127], %swap3A_130 {strides = array<i32>} : memref<16xf32, #tpu.memory_space<vmem>>, vector<16xf32>,
    "tpu.region"() ({
      %run_scoped3A = tpu.sem_alloc : memref<!tpu.dma_semaphore, #tpu.memory_space<semaphore_mem>>
      %dma_start3A_131 = arith.constant 0 : i32
      %dma_start3A_132 = tpu.memref_slice %arg5[%add3A, %dma_start3A_131] : memref<32x16xf32, #tpu.memory_space<hbm>> -> memref<1x16xf32, #tpu.memory_space<hbm>>
      %dma_start3A_133 = tpu.memref_squeeze %dma_start3A_132 : memref<1x16xf32, #tpu.memory_space<hbm>> -> memref<16xf32, #tpu.memory_space<hbm>>
      %dma_start3A_134 = arith.constant 0 : i32
      %dma_start3A_135 = tpu.memref_slice %arg5[%add3A, %dma_start3A_134] : memref<32x16xf32, #tpu.memory_space<hbm>> -> memref<1x16xf32, #tpu.memory_space<hbm>>
      %dma_start3A_136 = tpu.memref_squeeze %dma_start3A_135 : memref<1x16xf32, #tpu.memory_space<hbm>> -> memref<16xf32, #tpu.memory_space<hbm>>
      tpu.enqueue_dma source(%arg11 : memref<16xf32, #tpu.memory_space<vmem>>) target(%dma_start3A_136 : memref<16xf32, #tpu.memory_space<hbm>>) target_semaphore(%run_scoped3A : memref<!tpu.dma_semaphore, #tpu.memory_space<semaphore_mem>>)
      %dma_wait3A = arith.constant 0 : i32
      %dma_wait3A_137 = tpu.memref_slice %arg5[%add3A, %dma_wait3A] : memref<32x16xf32, #tpu.memory_space<hbm>> -> memref<1x16xf32, #tpu.memory_space<hbm>>
      %dma_wait3A_138 = tpu.memref_squeeze %dma_wait3A_137 : memref<1x16xf32, #tpu.memory_space<hbm>> -> memref<16xf32, #tpu.memory_space<hbm>>
      %dma_wait3A_139 = arith.constant 0 : i32
      %dma_wait3A_140 = tpu.memref_slice %arg5[%add3A, %dma_wait3A_139] : memref<32x16xf32, #tpu.memory_space<hbm>> -> memref<1x16xf32, #tpu.memory_space<hbm>>
      %dma_wait3A_141 = tpu.memref_squeeze %dma_wait3A_140 : memref<1x16xf32, #tpu.memory_space<hbm>> -> memref<16xf32, #tpu.memory_space<hbm>>
      tpu.wait_dma2 semaphore(%run_scoped3A : memref<!tpu.dma_semaphore, #tpu.memory_space<semaphore_mem>>) src(%arg11 : memref<16xf32, #tpu.memory_space<vmem>>) dst(%dma_wait3A_141 : memref<16xf32, #tpu.memory_space<hbm>>)
      tpu.yield
    }) : () -> ()
    return
  }
}

module attributes {stable_mosaic.version = 14 : i64} {
  func.func @_combine_kernel(%arg0: memref<32x16xf32, #tpu.memory_space<vmem>>, %arg1: memref<32x16xf32, #tpu.memory_space<vmem>>, %arg2: memref<1x1xf32, #tpu.memory_space<smem>>, %arg3: memref<1x1xf32, #tpu.memory_space<smem>>, %arg4: memref<1x1xf32, #tpu.memory_space<smem>>) attributes {dimension_semantics = [], scalar_prefetch = 0 : i64, scratch_operands = 0 : i64, tpu.core_type = #tpu.core_type<tc>} {
    %get3A = arith.constant 0 : index
    %get3A_0 = arith.constant 0 : index
    %get3A_1 = vector.load %arg0[%get3A, %get3A_0] : memref<32x16xf32, #tpu.memory_space<vmem>>, vector<32x16xf32>
    %reduce_sum3A = vector.shape_cast %get3A_1 : vector<32x16xf32> to vector<1x32x16xf32>
    %reduce_sum3A_2 = arith.constant dense<0.000000e+00> : vector<1xf32>
    %reduce_sum3A_3 = vector.multi_reduction <add>, %reduce_sum3A, %reduce_sum3A_2 [1, 2] : vector<1x32x16xf32> to vector<1xf32>
    %reduce_sum3A_4 = vector.shape_cast %reduce_sum3A_3 : vector<1xf32> to vector<1x1x1xf32>
    %reduce_sum3A_5 = vector.extract %reduce_sum3A_4[0, 0, 0] : f32 from vector<1x1x1xf32>
    %get3A_6 = arith.constant 0 : index
    %get3A_7 = arith.constant 0 : index
    %get3A_8 = memref.load %arg2[%get3A_6, %get3A_7] : memref<1x1xf32, #tpu.memory_space<smem>>
    %add3A = arith.addf %reduce_sum3A_5, %get3A_8 : f32
    %get3A_9 = arith.constant 0 : index
    %get3A_10 = arith.constant 0 : index
    %get3A_11 = vector.load %arg1[%get3A_9, %get3A_10] : memref<32x16xf32, #tpu.memory_space<vmem>>, vector<32x16xf32>
    %reduce_sum3A_12 = vector.shape_cast %get3A_11 : vector<32x16xf32> to vector<1x32x16xf32>
    %reduce_sum3A_13 = arith.constant dense<0.000000e+00> : vector<1xf32>
    %reduce_sum3A_14 = vector.multi_reduction <add>, %reduce_sum3A_12, %reduce_sum3A_13 [1, 2] : vector<1x32x16xf32> to vector<1xf32>
    %reduce_sum3A_15 = vector.shape_cast %reduce_sum3A_14 : vector<1xf32> to vector<1x1x1xf32>
    %reduce_sum3A_16 = vector.extract %reduce_sum3A_15[0, 0, 0] : f32 from vector<1x1x1xf32>
    %get3A_17 = arith.constant 0 : index
    %get3A_18 = arith.constant 0 : index
    %get3A_19 = memref.load %arg3[%get3A_17, %get3A_18] : memref<1x1xf32, #tpu.memory_space<smem>>
    %add3A_20 = arith.addf %reduce_sum3A_16, %get3A_19 : f32
    %div3A = arith.divf %add3A, %add3A_20 : f32
    %swap3A = arith.constant 0 : index
    %swap3A_21 = arith.constant 0 : index
    %swap3A_22 = memref.load %arg4[%swap3A, %swap3A_21] : memref<1x1xf32, #tpu.memory_space<smem>>
    memref.store %div3A, %arg4[%swap3A, %swap3A_21] : memref<1x1xf32, #tpu.memory_space<smem>>
    return
  }
}

module attributes {stable_mosaic.version = 14 : i64} {
  func.func @_tc_partial_kernel(%arg0: i32, %arg1: memref<1x512x2048xf32, #tpu.memory_space<vmem>>, %arg2: memref<1x512x2048xf32, #tpu.memory_space<vmem>>, %arg3: memref<1x1xf32, #tpu.memory_space<smem>>, %arg4: memref<1x1xf32, #tpu.memory_space<smem>>) attributes {dimension_semantics = [#tpu.dimension_semantics<arbitrary>], iteration_bounds = array<i64: 20>, scalar_prefetch = 0 : i64, scratch_operands = 0 : i64, tpu.core_type = #tpu.core_type<tc>, window_params = [{transform_indices = @transform_0, window_bounds = array<i64: 1, 512, 2048>}, {transform_indices = @transform_1, window_bounds = array<i64: 1, 512, 2048>}, {transform_indices = @transform_2, window_bounds = array<i64: 1, 1>}, {transform_indices = @transform_3, window_bounds = array<i64: 1, 1>}]} {
    %get3A = arith.constant 0 : index
    %get3A_0 = arith.constant 0 : index
    %get3A_1 = arith.constant 0 : index
    %get3A_2 = vector.load %arg1[%get3A, %get3A_0, %get3A_1] : memref<1x512x2048xf32, #tpu.memory_space<vmem>>, vector<1x512x2048xf32>
    %get3A_3 = vector.shape_cast %get3A_2 : vector<1x512x2048xf32> to vector<512x2048xf32>
    %get3A_4 = arith.constant 0 : index
    %get3A_5 = arith.constant 0 : index
    %get3A_6 = arith.constant 0 : index
    %get3A_7 = vector.load %arg2[%get3A_4, %get3A_5, %get3A_6] : memref<1x512x2048xf32, #tpu.memory_space<vmem>>, vector<1x512x2048xf32>
    %get3A_8 = vector.shape_cast %get3A_7 : vector<1x512x2048xf32> to vector<512x2048xf32>
    %sub3A = arith.subf %get3A_8, %get3A_3 : vector<512x2048xf32>
    %ge3A = arith.constant 1.000000e+00 : f32
    %ge3A_9 = vector.broadcast %ge3A : f32 to vector<512x2048xf32>
    %ge3A_10 = arith.cmpf oge, %get3A_8, %ge3A_9 : vector<512x2048xf32>
    %mul3A = arith.mulf %sub3A, %sub3A : vector<512x2048xf32>
    %jit3A = arith.constant 0.000000e+00 : f32
    %broadcast_in_dim3A = vector.broadcast %jit3A : f32 to vector<512x2048xf32>
    %select_n3A = arith.select %ge3A_10, %mul3A, %broadcast_in_dim3A : vector<512x2048xi1>, vector<512x2048xf32>
    %reduce_sum3A = vector.shape_cast %select_n3A : vector<512x2048xf32> to vector<1x512x2048xf32>
    %reduce_sum3A_11 = arith.constant dense<0.000000e+00> : vector<1xf32>
    %reduce_sum3A_12 = vector.multi_reduction <add>, %reduce_sum3A, %reduce_sum3A_11 [1, 2] : vector<1x512x2048xf32> to vector<1xf32>
    %reduce_sum3A_13 = vector.shape_cast %reduce_sum3A_12 : vector<1xf32> to vector<1x1x1xf32>
    %reduce_sum3A_14 = vector.extract %reduce_sum3A_13[0, 0, 0] : f32 from vector<1x1x1xf32>
    %jit3A_15 = arith.constant 1.000000e+00 : f32
    %jit3A_16 = arith.constant 0.000000e+00 : f32
    %broadcast_in_dim3A_17 = vector.broadcast %jit3A_15 : f32 to vector<512x2048xf32>
    %broadcast_in_dim3A_18 = vector.broadcast %jit3A_16 : f32 to vector<512x2048xf32>
    %select_n3A_19 = arith.select %ge3A_10, %broadcast_in_dim3A_17, %broadcast_in_dim3A_18 : vector<512x2048xi1>, vector<512x2048xf32>
    %reduce_sum3A_20 = vector.shape_cast %select_n3A_19 : vector<512x2048xf32> to vector<1x512x2048xf32>
    %reduce_sum3A_21 = arith.constant dense<0.000000e+00> : vector<1xf32>
    %reduce_sum3A_22 = vector.multi_reduction <add>, %reduce_sum3A_20, %reduce_sum3A_21 [1, 2] : vector<1x512x2048xf32> to vector<1xf32>
    %reduce_sum3A_23 = vector.shape_cast %reduce_sum3A_22 : vector<1xf32> to vector<1x1x1xf32>
    %reduce_sum3A_24 = vector.extract %reduce_sum3A_23[0, 0, 0] : f32 from vector<1x1x1xf32>
    %eq3A = arith.constant 0 : i32
    %eq3A_25 = arith.cmpi eq, %arg0, %eq3A : i32
    %convert_element_type3A = arith.extui %eq3A_25 : i1 to i32
    %cond3A = arith.constant 0 : i32
    %cond3A_26 = arith.cmpi ne, %convert_element_type3A, %cond3A : i32
    scf.if %cond3A_26 {
      %swap3A_39 = arith.constant 0.000000e+00 : f32
      %swap3A_40 = arith.constant 0 : index
      %swap3A_41 = arith.constant 0 : index
      %swap3A_42 = memref.load %arg3[%swap3A_40, %swap3A_41] : memref<1x1xf32, #tpu.memory_space<smem>>
      memref.store %swap3A_39, %arg3[%swap3A_40, %swap3A_41] : memref<1x1xf32, #tpu.memory_space<smem>>
      %swap3A_43 = arith.constant 0.000000e+00 : f32
      %swap3A_44 = arith.constant 0 : index
      %swap3A_45 = arith.constant 0 : index
      %swap3A_46 = memref.load %arg4[%swap3A_44, %swap3A_45] : memref<1x1xf32, #tpu.memory_space<smem>>
      memref.store %swap3A_43, %arg4[%swap3A_44, %swap3A_45] : memref<1x1xf32, #tpu.memory_space<smem>>
    } else {
    }
    %get3A_27 = arith.constant 0 : index
    %get3A_28 = arith.constant 0 : index
    %get3A_29 = memref.load %arg3[%get3A_27, %get3A_28] : memref<1x1xf32, #tpu.memory_space<smem>>
    %add3A = arith.addf %get3A_29, %reduce_sum3A_14 : f32
    %swap3A = arith.constant 0 : index
    %swap3A_30 = arith.constant 0 : index
    %swap3A_31 = memref.load %arg3[%swap3A, %swap3A_30] : memref<1x1xf32, #tpu.memory_space<smem>>
    memref.store %add3A, %arg3[%swap3A, %swap3A_30] : memref<1x1xf32, #tpu.memory_space<smem>>
    %get3A_32 = arith.constant 0 : index
    %get3A_33 = arith.constant 0 : index
    %get3A_34 = memref.load %arg4[%get3A_32, %get3A_33] : memref<1x1xf32, #tpu.memory_space<smem>>
    %add3A_35 = arith.addf %get3A_34, %reduce_sum3A_24 : f32
    %swap3A_36 = arith.constant 0 : index
    %swap3A_37 = arith.constant 0 : index
    %swap3A_38 = memref.load %arg4[%swap3A_36, %swap3A_37] : memref<1x1xf32, #tpu.memory_space<smem>>
    memref.store %add3A_35, %arg4[%swap3A_36, %swap3A_37] : memref<1x1xf32, #tpu.memory_space<smem>>
    return
  }
  func.func @transform_0(%arg0: i32) -> (i32, i32, i32) {
    %jit3A = arith.constant 16 : i32
    %div3A = arith.divsi %arg0, %jit3A : i32
    %sign3A = arith.constant 0 : i32
    %sign3A_0 = arith.cmpi sgt, %arg0, %sign3A : i32
    %sign3A_1 = arith.extui %sign3A_0 : i1 to i32
    %sign3A_2 = arith.constant 0 : i32
    %sign3A_3 = arith.cmpi slt, %arg0, %sign3A_2 : i32
    %sign3A_4 = arith.extui %sign3A_3 : i1 to i32
    %sign3A_5 = arith.subi %sign3A_1, %sign3A_4 : i32
    %sign3A_6 = arith.constant 0 : i32
    %sign3A_7 = arith.cmpi sgt, %jit3A, %sign3A_6 : i32
    %sign3A_8 = arith.extui %sign3A_7 : i1 to i32
    %sign3A_9 = arith.constant 0 : i32
    %sign3A_10 = arith.cmpi slt, %jit3A, %sign3A_9 : i32
    %sign3A_11 = arith.extui %sign3A_10 : i1 to i32
    %sign3A_12 = arith.subi %sign3A_8, %sign3A_11 : i32
    %ne3A = arith.cmpi ne, %sign3A_5, %sign3A_12 : i32
    %rem3A = arith.remsi %arg0, %jit3A : i32
    %ne3A_13 = arith.constant 0 : i32
    %ne3A_14 = arith.cmpi ne, %rem3A, %ne3A_13 : i32
    %and3A = arith.andi %ne3A, %ne3A_14 : i1
    %sub3A = arith.constant 1 : i32
    %sub3A_15 = arith.subi %div3A, %sub3A : i32
    %select_n3A = arith.select %and3A, %sub3A_15, %div3A : i32
    %jit3A_16 = arith.constant 16 : i32
    %eq3A = arith.constant 0 : i32
    %eq3A_17 = arith.cmpi eq, %jit3A_16, %eq3A : i32
    %jit3A_18 = arith.constant 1 : i32
    %select_n3A_19 = arith.select %eq3A_17, %jit3A_18, %jit3A_16 : i32
    %rem3A_20 = arith.remsi %arg0, %select_n3A_19 : i32
    %ne3A_21 = arith.constant 0 : i32
    %ne3A_22 = arith.cmpi ne, %rem3A_20, %ne3A_21 : i32
    %lt3A = arith.constant 0 : i32
    %lt3A_23 = arith.cmpi slt, %rem3A_20, %lt3A : i32
    %lt3A_24 = arith.constant 0 : i32
    %lt3A_25 = arith.cmpi slt, %select_n3A_19, %lt3A_24 : i32
    %ne3A_26 = arith.xori %lt3A_23, %lt3A_25 : i1
    %and3A_27 = arith.andi %ne3A_26, %ne3A_22 : i1
    %add3A = arith.addi %rem3A_20, %select_n3A_19 : i32
    %select_n3A_28 = arith.select %and3A_27, %add3A, %rem3A_20 : i32
    %c0_i32 = arith.constant 0 : i32
    %c0_i32_29 = arith.constant 0 : i32
    return %select_n3A, %select_n3A_28, %c0_i32 : i32, i32, i32
  }
  func.func @transform_1(%arg0: i32) -> (i32, i32, i32) {
    %jit3A = arith.constant 16 : i32
    %div3A = arith.divsi %arg0, %jit3A : i32
    %sign3A = arith.constant 0 : i32
    %sign3A_0 = arith.cmpi sgt, %arg0, %sign3A : i32
    %sign3A_1 = arith.extui %sign3A_0 : i1 to i32
    %sign3A_2 = arith.constant 0 : i32
    %sign3A_3 = arith.cmpi slt, %arg0, %sign3A_2 : i32
    %sign3A_4 = arith.extui %sign3A_3 : i1 to i32
    %sign3A_5 = arith.subi %sign3A_1, %sign3A_4 : i32
    %sign3A_6 = arith.constant 0 : i32
    %sign3A_7 = arith.cmpi sgt, %jit3A, %sign3A_6 : i32
    %sign3A_8 = arith.extui %sign3A_7 : i1 to i32
    %sign3A_9 = arith.constant 0 : i32
    %sign3A_10 = arith.cmpi slt, %jit3A, %sign3A_9 : i32
    %sign3A_11 = arith.extui %sign3A_10 : i1 to i32
    %sign3A_12 = arith.subi %sign3A_8, %sign3A_11 : i32
    %ne3A = arith.cmpi ne, %sign3A_5, %sign3A_12 : i32
    %rem3A = arith.remsi %arg0, %jit3A : i32
    %ne3A_13 = arith.constant 0 : i32
    %ne3A_14 = arith.cmpi ne, %rem3A, %ne3A_13 : i32
    %and3A = arith.andi %ne3A, %ne3A_14 : i1
    %sub3A = arith.constant 1 : i32
    %sub3A_15 = arith.subi %div3A, %sub3A : i32
    %select_n3A = arith.select %and3A, %sub3A_15, %div3A : i32
    %jit3A_16 = arith.constant 16 : i32
    %eq3A = arith.constant 0 : i32
    %eq3A_17 = arith.cmpi eq, %jit3A_16, %eq3A : i32
    %jit3A_18 = arith.constant 1 : i32
    %select_n3A_19 = arith.select %eq3A_17, %jit3A_18, %jit3A_16 : i32
    %rem3A_20 = arith.remsi %arg0, %select_n3A_19 : i32
    %ne3A_21 = arith.constant 0 : i32
    %ne3A_22 = arith.cmpi ne, %rem3A_20, %ne3A_21 : i32
    %lt3A = arith.constant 0 : i32
    %lt3A_23 = arith.cmpi slt, %rem3A_20, %lt3A : i32
    %lt3A_24 = arith.constant 0 : i32
    %lt3A_25 = arith.cmpi slt, %select_n3A_19, %lt3A_24 : i32
    %ne3A_26 = arith.xori %lt3A_23, %lt3A_25 : i1
    %and3A_27 = arith.andi %ne3A_26, %ne3A_22 : i1
    %add3A = arith.addi %rem3A_20, %select_n3A_19 : i32
    %select_n3A_28 = arith.select %and3A_27, %add3A, %rem3A_20 : i32
    %c0_i32 = arith.constant 0 : i32
    %c0_i32_29 = arith.constant 0 : i32
    return %select_n3A, %select_n3A_28, %c0_i32 : i32, i32, i32
  }
  func.func @transform_2(%arg0: i32) -> (i32, i32) {
    %c0_i32 = arith.constant 0 : i32
    %c0_i32_0 = arith.constant 0 : i32
    %c0_i32_1 = arith.constant 0 : i32
    return %c0_i32, %c0_i32_0 : i32, i32
  }
  func.func @transform_3(%arg0: i32) -> (i32, i32) {
    %c0_i32 = arith.constant 0 : i32
    %c0_i32_0 = arith.constant 0 : i32
    %c0_i32_1 = arith.constant 0 : i32
    return %c0_i32, %c0_i32_0 : i32, i32
  }
}

</mosaic_0001>

<sc_bundles>
// kernel: kernel.5.cloned.1.call-start
scs
__scs_entry_jumppad:
0x0: {  	(pc) =	sbr.rel $0x88, $3  }
0x1: {  	(tag) =	ssettag $0x0;
	lr =	simm.s32 $0x1  }
0x2: {  	[smem:$0x3F9F] =	sst lr;
	_ =	strace $0xD0000000  }
0x3: {  	_ = 	snop  }
0x4: {  	_ = 	snop  }
0x5: {  	_ = 	snop  }
0x6: {  	_ = 	snop  }
0x7: {  	_ = 	snop  }
__scs_overlays_trampoline_lowered:
0x8: {  	[smem:$0x3FAE] =	sst s0  }
0x9: {  	[smem:$0x3FAF] =	sst s1  }
0xa: {  	[smem:$0x3FB0] =	sst s2  }
0xb: {  	[smem:$0x3FB1] =	sst s3  }
0xc: {  	[smem:$0x3FB2] =	sst s4  }
0xd: {  	[smem:$0x3FB3] =	sst s5  }
0xe: {  	[smem:$0x3FB4] =	sst s6  }
0xf: {  	[smem:$0x3FB5] =	sst s7  }
0x10: {  	[smem:$0x3FB6] =	sst s8  }
0x11: {  	[smem:$0x3FB7] =	sst s9;
	s0 =	simm.s32 @!p0 $0x0  }
0x12: {  	s1 =	sld [smem:$0x3F9D];
	s0 =	simm.s32 @p0 $0x1  }
0x13: {  	[smem:$0x3FB8] =	sst s0;
	s0 =	simm.s32 @!p1 $0x0  }
0x14: {  	s2 =	sld [smem:$0x3F9C];
	s0 =	simm.s32 @p1 $0x1  }
0x15: {  	[smem:$0x3FB9] =	sst s0;
	s0 =	simm.s32 @!p2 $0x0  }
0x16: {  	s3 =	sld [smem:$0x3FDB];
	s0 =	simm.s32 @p2 $0x1  }
0x17: {  	s4 =	simm.s32 $0x1BF5;
	[smem:$0x3FBB] =	sst s0  }
0x18: {  	s0 =	sld [smem:$0x3F9E];
	_ =	swait.ge [sflag:s4], $0x0  }
0x19: {  	s7 =	sld [smem:$0x3F9F]  }
0x1a: {  	s8 =	sadd.s32 $0xFFFFE003, lr  }
0x1b: {  	s9 =	sadd.s32 $0xFFFFFEF7, lr;
	s5 =	simm.s32 $0xFFFFFFFF;
	p2 =	slt.u32 s8, $0xFFFFF086  }
0x1c: {  	p1 =	slt.u32 s9, $0xF7A;
	s5 =	simm.s32 @!p2 $0x0  }
0x1d: {  	s5 =	simm.s32 @p1 $0x1;
	p0 =	seq.s32 s7, s2  }
0x1e: {  	s7 =	smul.u32 @!p0 $0xF7A, s2;
	p2 =	seq.s32 @!p0 s5, $0x0  }
0x1f: {  	s9 =	smul.u32 $0xF7A, s1;
	s8 =	simm.s32 @!p0 $0x1BF5;
	p2 =	por !p2, p0  }
0x20: {  	[sflag:s8] =	ssyncset.s32 @!p0 $0xFFFFF086;
	s6 =	sadd.s32 @!p0 s3, s7;
	s7 =	simm.s32 @!p0 $0x108  }
0x21: {  	s3 =	sadd.s32 s3, s9;
	s6 =	sadd.s32 @!p0 $0x88, s6;
	s7 =	simm.s32 @p2 $0x1082  }
0x22: {  	[simem:s7], [sflag:s8] =	dma.local @!p0 [hbm:s6], $0xF7A  }
0x23: {  	s9 =	sor.u32 $0xD0000000, s2;
	s6 =	simm.s32 $0x108;
	_ =	swait.ge @!p0 [sflag:s8], $0x0  }
0x24: {  	s3 =	sadd.s32 $0x88, s3;
	s6 =	simm.s32 @!p1 $0x1082;
	[sflag:s4] =	ssyncset.s32 $0xFFFFF086  }
0x25: {  	[simem:s6], [sflag:s4] =	dma.local [hbm:s3], $0xF7A  }
0x26: {  	[smem:$0x3F9F] =	sst s1;
	(tag) =	ssettag s2;
	_ =	strace s9  }
0x27: {  	s1 =	sld [smem:$0x3FAF]  }
0x28: {  	s2 =	sld [smem:$0x3FB0]  }
0x29: {  	s4 =	sld [smem:$0x3FB2]  }
0x2a: {  	p0 =	seq.s32 s5, $0x0;
	s5 =	sld [smem:$0x3FB3]  }
0x2b: {  	s6 =	sld [smem:$0x3FB4]  }
0x2c: {  	s7 =	sld [smem:$0x3FB5]  }
0x2d: {  	s3 =	simm.s32 $0x108;
	s8 =	sld [smem:$0x3FB6]  }
0x2e: {  	s3 =	simm.s32 @!p0 $0x1082;
	s9 =	sld [smem:$0x3FB7]  }
0x2f: {  	lr =	sadd.s32 s0, s3;
	s0 =	sld [smem:$0x3FAE]  }
0x30: {  	s3 =	sld [smem:$0x3FB1]  }
0x31: {  	[smem:$0x3FBA] =	sst s10  }
0x32: {  	s10 =	sld [smem:$0x3FB8];
	_ =	sdelay $0x3  }
0x33: {  	p0 =	seq.s32 s10, $0x1;
	s10 =	sld [smem:$0x3FBA];
	_ =	sdelay $0x3  }
0x34: {  	[smem:$0x3FBA] =	sst s10  }
0x35: {  	s10 =	sld [smem:$0x3FB9];
	_ =	sdelay $0x3  }
0x36: {  	p1 =	seq.s32 s10, $0x1;
	s10 =	sld [smem:$0x3FBA];
	_ =	sdelay $0x3  }
0x37: {  	[smem:$0x3FBA] =	sst s10  }
0x38: {  	s10 =	sld [smem:$0x3FBB]  }
0x39: {  	_ = 	snop;
	(pc) =	sbr.ind lr, $3  }
0x3a: {  	_ = 	snop  }
0x3b: {  	_ = 	snop  }
0x3c: {  	p2 =	seq.s32 s10, $0x1;
	s10 =	sld [smem:$0x3FBA]  }
0x3d: {  	_ =	shalt  }
0x3e: {  	_ =	shalt  }
0x3f: {  	_ =	shalt  }
0x40: {  	_ =	shalt  }
0x41: {  	_ =	shalt  }
0x42: {  	_ =	shalt  }
0x43: {  	_ =	shalt  }
0x44: {  	_ =	shalt  }
0x45: {  	_ =	shalt  }
0x46: {  	_ =	shalt  }
0x47: {  	_ =	shalt  }
0x48: {  	_ =	shalt  }
0x49: {  	_ =	shalt  }
0x4a: {  	_ =	shalt  }
0x4b: {  	_ =	shalt  }
0x4c: {  	_ =	shalt  }
0x4d: {  	_ =	shalt  }
0x4e: {  	_ =	shalt  }
0x4f: {  	_ =	shalt  }
0x50: {  	_ =	shalt  }
0x51: {  	_ =	shalt  }
0x52: {  	_ =	shalt  }
0x53: {  	_ =	shalt  }
0x54: {  	_ =	shalt  }
0x55: {  	_ =	shalt  }
0x56: {  	_ =	shalt  }
0x57: {  	_ =	shalt  }
0x58: {  	_ =	shalt  }
0x59: {  	_ =	shalt  }
0x5a: {  	_ =	shalt  }
0x5b: {  	_ =	shalt  }
0x5c: {  	_ =	shalt  }
0x5d: {  	_ =	shalt  }
0x5e: {  	_ =	shalt  }
0x5f: {  	_ =	shalt  }
0x60: {  	_ =	shalt  }
0x61: {  	_ =	shalt  }
0x62: {  	_ =	shalt  }
0x63: {  	_ =	shalt  }
0x64: {  	_ =	shalt  }
0x65: {  	_ =	shalt  }
0x66: {  	_ =	shalt  }
0x67: {  	_ =	shalt  }
0x68: {  	_ =	shalt  }
0x69: {  	_ =	shalt  }
0x6a: {  	_ =	shalt  }
0x6b: {  	_ =	shalt  }
0x6c: {  	_ =	shalt  }
0x6d: {  	_ =	shalt  }
0x6e: {  	_ =	shalt  }
0x6f: {  	_ =	shalt  }
0x70: {  	_ =	shalt  }
0x71: {  	_ =	shalt  }
0x72: {  	_ =	shalt  }
0x73: {  	_ =	shalt  }
0x74: {  	_ =	shalt  }
0x75: {  	_ =	shalt  }
0x76: {  	_ =	shalt  }
0x77: {  	_ =	shalt  }
0x78: {  	_ =	shalt  }
0x79: {  	_ =	shalt  }
0x7a: {  	_ =	shalt  }
0x7b: {  	_ =	shalt  }
0x7c: {  	_ =	shalt  }
0x7d: {  	_ =	shalt  }
0x7e: {  	_ =	shalt  }
0x7f: {  	_ =	shalt  }
0x80: {  	_ =	shalt  }
0x81: {  	_ =	shalt  }
0x82: {  	_ =	shalt  }
0x83: {  	_ =	shalt  }
0x84: {  	_ =	shalt  }
0x85: {  	_ =	shalt  }
0x86: {  	_ =	shalt  }
0x87: {  	_ =	shalt  }
.Lfunc_end0:
.L_simem_size_0:
called_computation_lowered:
.L_overlay_start_0:
0x88: {  	s2 =	sld [smem:$0x3FD9]  }
0x89: {  	s3 =	sld [smem:$0x3FFE];
	_ =	sdelay $0x1  }
0x8a: {  	s1 =	srdreg.scid  }
0x8b: {  	s0 =	sand.u32 $0x1, s1  }
0x8c: {  	s17 =	sshll.u32 s0, $0xA;
	s2 =	sadd.s32 s3, s2  }
0x8d: {  	s2 =	sadd.s32 s2, s17  }
0x8e: {  	[smem:$0x3FC6] =	sst s2  }
0x8f: {  	_ = 	snop  }
0x90: {  	s2 =	sld [smem:$0x3FC9]  }
0x91: {  	s18 =	sld [smem:$0x3FC8];
	(tm) =	ssettm $0x1  }
0x92: {  	s4 =	sld [smem:$0x3FFB];
	_ =	sdelay $0x3  }
0x93: {  	_ =	strace s4  }
0x94: {  	s4 =	sld [smem:$0x3FFC];
	_ =	sdelay $0x3  }
0x95: {  	_ =	strace s4  }
0x96: {  	s4 =	sld [smem:$0x3FFD];
	_ =	sdelay $0x3  }
0x97: {  	_ =	strace s4  }
0x98: {  	_ =	strace $0x8FFFFFFF  }
0x99: {  	s19 =	sld [smem:$0x3FDB];
	_ =	sdelay $0x1  }
0x9a: {  	s5 =	simm.s32 $_scs_section_size  }
0x9b: {  	s6 =	simm.s32 $_size__tile_overlayer_lowered;
	s7 =	simm.s32 $_tile_overlayer_lowered  }
0x9c: {  	s22 =	simm.s32 $0x1BFF;
	s21 =	sshll.u32 s7, $0x1;
	s4 =	sadd.s32 s5, s19  }
0x9d: {  	s8 =	simm.s32 $0x0;
	s20 =	sshll.u32 s6, $0x1;
	s6 =	sadd.s32 s21, s4  }
0x9e: {  	[timem:s8], [sflag:s22] =	dma.local [hbm:s6], s20  }
0x9f: {  	_ =	swait.ge [sflag:s22], s20  }
0xa0: {  	s5 =	ssub.s32 $0x0, s20;
	[sflag:s22] =	ssyncset.done $0x0  }
0xa1: {  	[sflag:s22] =	ssyncadd.s32 s5;
	_ =	sdelay $0x1  }
0xa2: {  	s23 =	simm.s32 $0x1B8B  }
0xa3: {  	_ =	swait.ge [sflag:s23], $0x1  }
0xa4: {  	[sflag:s23] =	ssyncset.done $0x0  }
0xa5: {  	s25 =	simm.s32 $0x1B8E;
	s24 =	sld [smem:$0x3FFE];
	[sflag:s23] =	ssyncadd.s32 $0xFFFFFFFF  }
0xa6: {  	s26 =	simm.s32 $execute0_lowered;
	[smem:$0x3FD2] =	sst s25  }
0xa7: {  	s6 =	sshll.u32 s26, $0x1;
	_ =	strace $0x80000046;
	[dreg:$0x1] =	wrdreg $0xFFFFFFFF  }
0xa8: {  	s28 =	simm.s32 $_size_execute0_lowered;
	s4 =	sadd.s32 s4, s6;
	[dreg:$0x0] =	wrdreg $0x0  }
0xa9: {  	s6 =	sshll.u32 s28, $0x1;
	[dreg:$0x2] =	wrdreg s4  }
0xaa: {  	[dreg:$0x3] =	wrdreg s6  }
0xab: {  	[dreg:$0x4] =	wrdreg $0xC0  }
0xac: {  	_ =	task [dreg:s8], $0x5FFFF  }
0xad: {  	[dreg:$0x1] =	wrdreg $0xFFFFFFFF  }
0xae: {  	[dreg:$0x0] =	wrdreg $0x60  }
0xaf: {  	[dreg:$0x2] =	wrdreg s2  }
0xb0: {  	[dreg:$0x3] =	wrdreg s18  }
0xb1: {  	[dreg:$0x4] =	wrdreg s24  }
0xb2: {  	[dreg:$0x5] =	wrdreg $0x9  }
0xb3: {  	_ =	task.clear_ibuf [dreg:s8], $0x6FFFF;
	_ =	strace $0x90000046  }
0xb4: {  	s29 =	simm.s32 $0x9;
	_ =	strace $0x80000048  }
0xb5: {  	_ =	swait.ge [sflag:s29], $0x1  }
0xb6: {  	[sflag:s29] =	ssyncadd.s32 $0xFFFFFFFF  }
0xb7: {  	_ =	strace $0x90000048  }
0xb8: {  	_ =	sfence  }
0xb9: {  	s30 =	sld [smem:$0x0];
	_ =	sdelay $0x2  }
0xba: {  	s31 =	sshll.u32 s1, $0xD;
	s1 =	sshrl.u32 s1, $0x2  }
0xbb: {  	s3 =	sand.u32 $0x4000, s31;
	s1 =	sadd.s32 s1, s30  }
0xbc: {  	s0 =	sor.u32 s3, s0;
	s1 =	sshll.u32 s1, $0x11  }
0xbd: {  	s0 =	sor.u32 s1, s0  }
0xbe: {  	s0 =	sadd.s32 $0x8F2B, s0  }
0xbf: {  	[sflag:s0] =	ssyncadd.remote.s32 $0x1  }
0xc0: {  	_ =	sfence.sel $0xFFFF  }
0xc1: {  	[dreg:$0x0] =	wrdreg $0xFFFFFFFF;
	(pc) =	sbr.abs _section_cstart, $3  }
0xc2: {  	[dreg:$0x1] =	wrdreg $0xFFFFFFFF  }
0xc3: {  	_ =	task.clear_ibuf [dreg:s8], $0x2FFFF;
	_ =	strace $0x9FFFFFFF  }
0xc4: {  	(tm) =	ssettm $0x7FFFFFFF  }
0xc5: {  	_ =	shalt  }
tec
execute0_lowered:
.L_overlay_start_1:
0x0: {  	(tag) =	ssettag $0x1  }
0x1: {  	s1 =	rddreg [dreg:$0x0]  }
0x2: {  	s3 =	rddreg [dreg:$0x1]  }
0x3: {  	s5 =	rddreg [dreg:$0x2]  }
0x4: {  	s6 =	srdreg.scid;
	s0 =	stileid.u32;
	s4 =	simm.s32 $0x0  }
0x5: {  	s15 =	simm.s32 $0x8000;
	s16 =	simm.s32 $0xC000;
	s17 =	simm.s32 $0x1  }
0x6: {  	s18 =	simm.s32 $0x2;
	s19 =	simm.s32 $0x3;
	s20 =	simm.s32 $0x4  }
0x7: {  	s21 =	simm.s32 $0x10000;
	s6 =	sand.u32 $0x1, s6;
	s7 =	sshll.u32 s0, $0x1  }
0x8: {  	s22 =	simm.s32 $0x5;
	s23 =	simm.s32 $0x10080;
	s7 =	sor.u32 s6, s7  }
0x9: {  	s24 =	simm.s32 $0x0;
	[smem:$0x7FF] =	sst s4;
	s8 =	smul.u32 $0x60000, s7  }
0xa: {  	_ =	strace $0x80000047;
	s6 =	ssub.s32 $0x2, s6;
	s10 =	smul.u32 $0xC000, s7  }
0xb: {  	s9 =	sshll.u32 s7, $0x4;
	s26 =	sshrl.u32 s6, $0x1;
	s30 =	smul.u32 $0xC0, s7  }
0xc: {  	s12 =	sadd.s32 s9, s5;
	s13 =	ssub.s32 s6, s26;
	s8 =	sshrl.u32 s8, $0x3  }
.Ltmp0:
0xd: {  	s28 =	sadd.s32 $0x80000, s10;
	s9 =	sadd.s32 $0x2810, s30;
	(pc) =	sbr.rel .LBB2_1-.Ltmp0, $4  }
0xe: {  	s10 =	sadd.s32 $0x2818, s30;
	s11 =	sadd.s32 $0xE00, s12;
	s29 =	sadd.s32 $0x80800, s8  }
0xf: {  	s12 =	sadd.s32 $0x1000, s12;
	s31 =	sor.u32 $0x200000, s28;
	s8 =	sand.u32 $0x1FC800, s29  }
0x10: {  	s13 =	smax.u32 s13, $0x1;
	s5 =	sadd.s32 s1, s31;
	s8 =	sor.u32 $0x200000, s8  }
0x11: {  	v0 =	vimm.f32 $0.0e+00;
	s6 =	sadd.s32 s3, s31;
	s7 =	sadd.s32 s1, s8;
	s8 =	sadd.s32 s3, s8  }
.LBB2_8:
0x12: {  	v2 =	vadd.f32 v23, v2;
	_ =	sdelay $0x1  }
0x13: {  	v1 =	vadd.f32 v1, v2;
	_ =	sdelay $0x1  }
0x14: {  	v1 =	vadd.f32 v15, v1  }
0x15: {  	v2 =	vadd.f32 v8, v12  }
0x16: {  	v1 =	vadd.f32 v20, v1  }
0x17: {  	v2 =	vadd.f32 v4, v2  }
0x18: {  	v1 =	vadd.f32 v21, v1  }
0x19: {  	v2 =	vadd.f32 v19, v2  }
0x1a: {  	v1 =	vadd.f32 v22, v1  }
0x1b: {  	v2 =	vadd.f32 v6, v2  }
0x1c: {  	v1 =	vadd.f32 v17, v1  }
0x1d: {  	v2 =	vadd.f32 v7, v2  }
0x1e: {  	[tilespmem:$0x10000] =	vst v1  }
0x1f: {  	v1 =	vadd.f32 v3, v2;
	[hbm4b:s11+s4] =	stream.linear.scatter [tilespmem:s21], [sflag:$0x5], $0x80, $0x38;
	[tilespmem:$0x10100] =	vst v63  }
0x20: {  	_ =	swait.ge [sflag:s22], $0x80  }
0x21: {  	s24 =	sadd.s32 $0x1, s24;
	v1 =	vadd.f32 v5, v1;
	[sflag:s22] =	ssyncset.done $0x0  }
0x22: {  	p0 =	sne.s32 s24, s13;
	[sflag:s22] =	ssyncadd.s32 $0xFFFFFF80  }
.Ltmp1:
0x23: {  	[tilespmem:$0x10080] =	vst v1;
	(pc) =	sbr.rel @!p0 .LBB2_9-.Ltmp1, $4  }
0x24: {  	[hbm4b:s12+s4] =	stream.linear.scatter [tilespmem:s23], [sflag:$0x5], $0x80, $0x38;
	[tilespmem:$0x10100] =	vst v63  }
0x25: {  	_ =	swait.ge [sflag:s22], $0x80  }
0x26: {  	[sflag:s22] =	ssyncset.done $0x0  }
0x27: {  	[sflag:s22] =	ssyncadd.s32 $0xFFFFFF80  }
.LBB2_1:
0x28: {  	[tilespmem:s4], [sflag:$0x1] =	stream.linear.gather [hbm4b:s5+s4], $0x4000, $0x38;
	[tilespmem:$0x10100] =	vst v63  }
0x29: {  	s0 =	simm.s32 $0x4000;
	v5 =	vimm.f32 $0.0e+00  }
0x2a: {  	v3 =	vimm.f32 $0.0e+00;
	v7 =	vimm.f32 $0.0e+00;
	v6 =	vimm.f32 $0.0e+00;
	[tilespmem:s0], [sflag:$0x2] =	stream.linear.gather [hbm4b:s6+s4], $0x4000, $0x38;
	[tilespmem:$0x10100] =	vst v63  }
0x2b: {  	v19 =	vimm.f32 $0.0e+00;
	v4 =	vimm.f32 $0.0e+00;
	v8 =	vimm.f32 $0.0e+00  }
0x2c: {  	v12 =	vimm.f32 $0.0e+00;
	v17 =	vimm.f32 $0.0e+00;
	v22 =	vimm.f32 $0.0e+00;
	[tilespmem:s15], [sflag:$0x3] =	stream.linear.gather [hbm4b:s7+s4], $0x4000, $0x38;
	[tilespmem:$0x10100] =	vst v63  }
0x2d: {  	v21 =	vimm.f32 $0.0e+00;
	v20 =	vimm.f32 $0.0e+00;
	v15 =	vimm.f32 $0.0e+00;
	s25 =	simm.s32 $0x0  }
0x2e: {  	v1 =	vimm.f32 $0.0e+00;
	v23 =	vimm.f32 $0.0e+00;
	v2 =	vimm.f32 $0.0e+00;
	[tilespmem:s16], [sflag:$0x4] =	stream.linear.gather [hbm4b:s8+s4], $0x4000, $0x38;
	[tilespmem:$0x10100] =	vst v63  }
.LBB2_2:
0x2f: {  	_ =	swait.ge [sflag:s17], $0x4000  }
0x30: {  	[sflag:s17] =	ssyncset.done $0x0  }
0x31: {  	s26 =	simm.s32 $0x0;
	s29 =	simm.s32 $0x0;
	[sflag:s17] =	ssyncadd.s32 $0xFFFFC000  }
0x32: {  	s28 =	sand.u32 $0x7, s26;
	s29 =	sand.u32 $0x70, s29;
	_ =	swait.ge [sflag:s18], $0x4000  }
0x33: {  	s26 =	sand.u32 $0x3C00, s26;
	s28 =	sshll.u32 s28, $0x4;
	[sflag:s18] =	ssyncset.done $0x0  }
0x34: {  	s30 =	sor.u32 s29, s26;
	s28 =	sadd.s32 $0x0, s28;
	[sflag:s18] =	ssyncadd.s32 $0xFFFFC000  }
0x35: {  	s2 =	sor.u32 $0x380, s28;
	v9 =	vld [tilespmem:s30+$0x300]  }
0x36: {  	v10 =	vld [tilespmem:s2+$0x0]  }
0x37: {  	v13 =	vld [tilespmem:s30+$0x200]  }
0x38: {  	v14 =	vld [tilespmem:s30+$0x80]  }
0x39: {  	v16 =	vld [tilespmem:s30+$0x4300]  }
0x3a: {  	v18 =	vld [tilespmem:s30+$0x4080]  }
0x3b: {  	v24 =	vld [tilespmem:s30+$0x4200]  }
0x3c: {  	v25 =	vld [tilespmem:s2+$0x4000]  }
0x3d: {  	v26 =	vld [tilespmem:s30+$0x4280]  }
0x3e: {  	v27 =	vld [tilespmem:s30+$0x4180]  }
0x3f: {  	v29 =	vld [tilespmem:s30+$0x4000]  }
0x40: {  	v11 =	vld [tilespmem:s30+$0x280];
	v9 =	vsub.f32 v16, v9  }
0x41: {  	s14 =	simm.s32 $0x1;
	v14 =	vsub.f32 v18, v14;
	vm3 =	vge.f32 v16, $1.000000000e+00;
	vm1 =	vge.f32 v18, $1.000000000e+00  }
0x42: {  	s29 =	sand.u32 $0x7, s14;
	s26 =	simm.s32 $0x10;
	s28 =	simm.s32 $0x80;
	v28 =	vld [tilespmem:s30+$0x0];
	v13 =	vsub.f32 v24, v13;
	v10 =	vsub.f32 v25, v10;
	vm0 =	vge.f32 v24, $1.000000000e+00  }
0x43: {  	s29 =	sshll.u32 s29, $0x4;
	s31 =	sand.u32 $0x70, s26;
	s0 =	sand.u32 $0x3C00, s28;
	vm4 =	vge.f32 v26, $1.000000000e+00;
	vm2 =	vge.f32 v27, $1.000000000e+00;
	v18 =	vsel vm3, $0x3F800000, v0  }
0x44: {  	s2 =	sadd.s32 $0x80, s29;
	s29 =	sor.u32 s31, s0;
	v16 =	vld [tilespmem:s30+$0x180];
	vm15 =	vge.f32 v29, $1.000000000e+00;
	v9 =	vmul.f32 v9, v9;
	v32 =	vadd.f32 v18, v3  }
0x45: {  	v30 =	vld [tilespmem:s29+$0x300];
	v24 =	vmul.f32 v13, v13;
	v3 =	vsub.f32 v26, v11;
	v13 =	vsel vm2, $0x3F800000, v0  }
0x46: {  	v34 =	vld [tilespmem:s29+$0x200];
	v11 =	vmul.f32 v14, v14;
	v33 =	vmul.f32 v10, v10;
	v13 =	vadd.f32 v13, v19  }
0x47: {  	v18 =	vld [tilespmem:s30+$0x4100];
	v19 =	vsub.f32 v29, v28;
	v28 =	vsel vm15, $0x3F800000, v0;
	v9 =	vnsel vm3, $0x0, v9  }
0x48: {  	v26 =	vld [tilespmem:s30+$0x100];
	v31 =	vmul.f32 v3, v3;
	v11 =	vnsel vm1, $0x0, v11;
	vm3 =	vge.f32 v25, $1.000000000e+00  }
0x49: {  	v29 =	vld [tilespmem:s29+$0x4280];
	v27 =	vsub.f32 v27, v16;
	v16 =	vadd.f32 v9, v22;
	v9 =	vsel vm4, $0x3F800000, v0  }
0x4a: {  	v3 =	vld [tilespmem:s29+$0x0];
	v12 =	vadd.f32 v28, v12;
	v33 =	vnsel vm3, $0x0, v33;
	v14 =	vadd.f32 v9, v7  }
0x4b: {  	v25 =	vld [tilespmem:s29+$0x80];
	v7 =	vsel vm3, $0x3F800000, v0;
	v9 =	vadd.f32 v11, v23;
	v11 =	vsel vm1, $0x3F800000, v0  }
0x4c: {  	v23 =	vnsel vm0, $0x0, v24;
	v24 =	vld [tilespmem:s29+$0x4080];
	v10 =	vadd.f32 v7, v5;
	v5 =	vmul.f32 v27, v27  }
0x4d: {  	s31 =	sor.u32 $0x380, s2;
	v11 =	vadd.f32 v11, v8;
	v8 =	vsub.f32 v18, v26;
	v7 =	vnsel vm4, $0x0, v31;
	v27 =	vld [tilespmem:s29+$0x4300]  }
0x4e: {  	v22 =	vld [tilespmem:s31+$0x0];
	v17 =	vadd.f32 v33, v17;
	v7 =	vadd.f32 v7, v21;
	v21 =	vsel vm0, $0x3F800000, v0  }
0x4f: {  	vm0 =	vge.f32 v18, $1.000000000e+00;
	v26 =	vmul.f32 v8, v8;
	v8 =	vadd.f32 v23, v20;
	v23 =	vld [tilespmem:s29+$0x4200]  }
0x50: {  	v20 =	vld [tilespmem:s31+$0x4000];
	v18 =	vnsel vm2, $0x0, v5;
	v5 =	vadd.f32 v21, v6;
	v31 =	vsel vm0, $0x3F800000, v0  }
0x51: {  	v21 =	vld [tilespmem:s29+$0x280];
	v6 =	vadd.f32 v18, v15;
	v15 =	vadd.f32 v31, v4  }
0x52: {  	v18 =	vld [tilespmem:s29+$0x4100];
	v26 =	vnsel vm0, $0x0, v26;
	v25 =	vsub.f32 v24, v25;
	v28 =	vsub.f32 v27, v30  }
0x53: {  	vm0 =	vge.f32 v24, $1.000000000e+00;
	v24 =	vld [tilespmem:s29+$0x4180];
	v30 =	vmul.f32 v19, v19;
	vm1 =	vge.f32 v27, $1.000000000e+00  }
0x54: {  	v4 =	vsel vm1, $0x3F800000, v0;
	v27 =	vmul.f32 v28, v28;
	v31 =	vsub.f32 v23, v34;
	v28 =	vld [tilespmem:s29+$0x180]  }
0x55: {  	s30 =	simm.s32 $0x2;
	v19 =	vld [tilespmem:s29+$0x4000];
	v22 =	vsub.f32 v20, v22;
	v30 =	vnsel vm15, $0x0, v30;
	v4 =	vadd.f32 v4, v32  }
.LBB2_3:
0x56: {  	s0 =	sand.u32 $0x7, s30;
	s26 =	sadd.s32 $0x10, s26;
	vm2 =	vge.f32 v23, $1.000000000e+00;
	v23 =	vmul.f32 v31, v31;
	s28 =	sadd.s32 $0x80, s28;
	v2 =	vadd.f32 v30, v2  }
0x57: {  	v1 =	vadd.f32 v26, v1;
	s0 =	sshll.u32 s0, $0x4;
	s2 =	sand.u32 $0x70, s26;
	s31 =	sand.u32 $0x3C00, s28;
	v21 =	vsub.f32 v29, v21;
	vm4 =	vge.f32 v29, $1.000000000e+00  }
0x58: {  	v25 =	vmul.f32 v25, v25;
	v27 =	vnsel vm1, $0x0, v27;
	p0 =	slt.u32 s26, $0x7F0;
	s0 =	sadd.s32 s0, s28;
	v26 =	vld [tilespmem:s29+$0x100];
	s29 =	sor.u32 s2, s31;
	vm3 =	vge.f32 v24, $1.000000000e+00  }
0x59: {  	v29 =	vld [tilespmem:s29+$0x300];
	s0 =	sor.u32 $0x380, s0;
	v24 =	vsub.f32 v24, v28;
	v28 =	vsel vm3, $0x3F800000, v0;
	v30 =	vmul.f32 v21, v21  }
0x5a: {  	v22 =	vmul.f32 v22, v22;
	v16 =	vadd.f32 v27, v16;
	v25 =	vnsel vm0, $0x0, v25;
	v32 =	vld [tilespmem:s0+$0x0]  }
0x5b: {  	vm1 =	vge.f32 v20, $1.000000000e+00;
	v31 =	vsel vm4, $0x3F800000, v0;
	v27 =	vld [tilespmem:s29+$0x0];
	v24 =	vmul.f32 v24, v24  }
0x5c: {  	v20 =	vsel vm1, $0x3F800000, v0;
	v14 =	vadd.f32 v31, v14;
	v13 =	vadd.f32 v28, v13;
	v21 =	vld [tilespmem:s29+$0x280]  }
0x5d: {  	v10 =	vadd.f32 v20, v10;
	v9 =	vadd.f32 v25, v9;
	v25 =	vsel vm0, $0x3F800000, v0;
	v31 =	vld [tilespmem:s29+$0x200]  }
0x5e: {  	v11 =	vadd.f32 v25, v11;
	v25 =	vnsel vm4, $0x0, v30;
	v20 =	vsub.f32 v18, v26;
	v28 =	vld [tilespmem:s29+$0x80]  }
0x5f: {  	v23 =	vnsel vm2, $0x0, v23;
	v7 =	vadd.f32 v25, v7;
	v26 =	vsub.f32 v19, v3;
	v30 =	vld [tilespmem:s29+$0x4300]  }
0x60: {  	v8 =	vadd.f32 v23, v8;
	vm4 =	vge.f32 v19, $1.000000000e+00;
	v25 =	vmul.f32 v20, v20;
	v33 =	vld [tilespmem:s29+$0x4080];
	v3 =	vmovc v27  }
0x61: {  	vm0 =	vge.f32 v18, $1.000000000e+00;
	v19 =	vsel vm4, $0x3F800000, v0;
	v18 =	vsel vm2, $0x3F800000, v0;
	v20 =	vld [tilespmem:s0+$0x4000]  }
0x62: {  	v24 =	vnsel vm3, $0x0, v24;
	v5 =	vadd.f32 v18, v5;
	v27 =	vsel vm0, $0x3F800000, v0;
	v23 =	vld [tilespmem:s29+$0x4200]  }
0x63: {  	v34 =	vnsel vm1, $0x0, v22;
	v12 =	vadd.f32 v19, v12;
	v6 =	vadd.f32 v24, v6;
	v18 =	vld [tilespmem:s29+$0x4100]  }
.Ltmp2:
0x64: {  	v35 =	vmul.f32 v26, v26;
	v26 =	vnsel vm0, $0x0, v25;
	v19 =	vld [tilespmem:s29+$0x4000];
	v22 =	vsub.f32 v30, v29;
	(pc) =	sbr.rel @p0 .LBB2_3-.Ltmp2, $4  }
0x65: {  	v15 =	vadd.f32 v27, v15;
	vm1 =	vge.f32 v30, $1.000000000e+00;
	v25 =	vsub.f32 v33, v28;
	v29 =	vld [tilespmem:s29+$0x4280]  }
0x66: {  	v30 =	vnsel vm4, $0x0, v35;
	vm0 =	vge.f32 v33, $1.000000000e+00;
	v24 =	vld [tilespmem:s29+$0x4180];
	v27 =	vmul.f32 v22, v22  }
0x67: {  	v33 =	vsel vm1, $0x3F800000, v0;
	v22 =	vsub.f32 v20, v32;
	v28 =	vld [tilespmem:s29+$0x180];
	v31 =	vsub.f32 v23, v31  }
0x68: {  	s30 =	sadd.s32 $0x1, s30;
	v17 =	vadd.f32 v34, v17;
	v4 =	vadd.f32 v33, v4  }
0x69: {  	s26 =	sshll.u32 s25, $0x4;
	p0 =	seq.s32 s25, $0xB  }
0x6a: {  	s0 =	sadd.s32 @!p0 s26, s9  }
0x6b: {  	s0 =	sshll.u32 @!p0 s0, $0x8  }
0x6c: {  	s0 =	sand.u32 @!p0 $0xFFFF000, s0  }
0x6d: {  	s28 =	simm.s32 @!p0 $0x0;
	s2 =	sadd.s32 @!p0 s1, s0  }
0x6e: {  	v32 =	vld [tilespmem:s29+$0x100];
	[tilespmem:s28], [sflag:$0x1] =	stream.linear.gather @!p0 [hbm4b:s2+s28], $0x4000, $0x38  }
0x6f: {  	s0 =	sadd.s32 @!p0 s3, s0;
	s2 =	simm.s32 @!p0 $0x4000  }
0x70: {  	[tilespmem:s2], [sflag:$0x2] =	stream.linear.gather @!p0 [hbm4b:s0+s28], $0x4000, $0x38;
	[tilespmem:$0x10100] =	vst v63  }
0x71: {  	vm2 =	vge.f32 v23, $1.000000000e+00;
	_ =	swait.ge [sflag:s19], $0x4000  }
0x72: {  	v23 =	vmul.f32 v31, v31;
	v2 =	vadd.f32 v30, v2;
	v1 =	vadd.f32 v26, v1;
	[sflag:s19] =	ssyncset.done $0x0  }
0x73: {  	v25 =	vmul.f32 v25, v25;
	v26 =	vnsel vm1, $0x0, v27;
	v22 =	vmul.f32 v22, v22;
	s0 =	simm.s32 $0x0;
	s28 =	simm.s32 $0x0;
	[sflag:s19] =	ssyncadd.s32 $0xFFFFC000  }
0x74: {  	vm1 =	vge.f32 v20, $1.000000000e+00;
	v3 =	vsub.f32 v19, v3;
	vm14 =	vge.f32 v18, $1.000000000e+00;
	s14 =	sand.u32 $0x7, s0;
	s28 =	sand.u32 $0x70, s28;
	_ =	swait.ge [sflag:s20], $0x4000  }
0x75: {  	v21 =	vsub.f32 v29, v21;
	vm4 =	vge.f32 v29, $1.000000000e+00;
	v16 =	vadd.f32 v26, v16;
	s0 =	sand.u32 $0x3C00, s0;
	s2 =	sshll.u32 s14, $0x4;
	[sflag:s20] =	ssyncset.done $0x0  }
0x76: {  	v20 =	vsel vm1, $0x3F800000, v0;
	vm3 =	vge.f32 v24, $1.000000000e+00;
	v26 =	vsel vm4, $0x3F800000, v0;
	s31 =	sor.u32 s28, s0;
	s2 =	sadd.s32 $0x0, s2;
	[sflag:s20] =	ssyncadd.s32 $0xFFFFC000  }
0x77: {  	v25 =	vnsel vm0, $0x0, v25;
	v10 =	vadd.f32 v20, v10;
	v14 =	vadd.f32 v26, v14;
	s14 =	sor.u32 $0x380, s2;
	v26 =	vld [tilespmem:s31+$0x8300]  }
0x78: {  	v23 =	vnsel vm2, $0x0, v23;
	v3 =	vmul.f32 v3, v3;
	v24 =	vsub.f32 v24, v28;
	v20 =	vld [tilespmem:s14+$0x8000]  }
0x79: {  	v21 =	vmul.f32 v21, v21;
	v9 =	vadd.f32 v25, v9;
	v25 =	vsel vm0, $0x3F800000, v0;
	v28 =	vld [tilespmem:s31+$0x8200]  }
0x7a: {  	vm0 =	vge.f32 v19, $1.000000000e+00;
	v11 =	vadd.f32 v25, v11;
	v25 =	vsub.f32 v18, v32;
	v19 =	vld [tilespmem:s31+$0x8080]  }
0x7b: {  	v23 =	vadd.f32 v23, v8;
	v24 =	vmul.f32 v24, v24;
	v21 =	vnsel vm4, $0x0, v21;
	v18 =	vld [tilespmem:s31+$0xC300]  }
0x7c: {  	v21 =	vadd.f32 v21, v7;
	v7 =	vmul.f32 v25, v25;
	v25 =	vsel vm2, $0x3F800000, v0;
	v30 =	vld [tilespmem:s31+$0xC080]  }
0x7d: {  	v8 =	vsel vm0, $0x3F800000, v0;
	v24 =	vnsel vm3, $0x0, v24;
	v25 =	vadd.f32 v25, v5;
	v5 =	vld [tilespmem:s31+$0xC200]  }
0x7e: {  	v31 =	vadd.f32 v8, v12;
	v24 =	vadd.f32 v24, v6;
	v6 =	vnsel vm1, $0x0, v22;
	v8 =	vld [tilespmem:s14+$0xC000]  }
0x7f: {  	v3 =	vnsel vm0, $0x0, v3;
	v33 =	vadd.f32 v6, v17;
	v6 =	vld [tilespmem:s31+$0xC280]  }
0x80: {  	v29 =	vsel vm14, $0x3F800000, v0;
	v2 =	vadd.f32 v3, v2;
	v3 =	vld [tilespmem:s31+$0xC180]  }
0x81: {  	v63 =	vadd.f32 v29, v15;
	v27 =	vsel vm3, $0x3F800000, v0;
	v7 =	vnsel vm14, $0x0, v7;
	v15 =	vld [tilespmem:s31+$0x8180]  }
0x82: {  	s29 =	simm.s32 $0x80;
	v13 =	vadd.f32 v27, v13;
	s28 =	simm.s32 $0x10;
	v1 =	vadd.f32 v7, v1;
	v27 =	vld [tilespmem:s31+$0x8280]  }
0x83: {  	s30 =	sand.u32 $0x3C00, s29;
	s14 =	sand.u32 $0x70, s28;
	v7 =	vsub.f32 v18, v26;
	v12 =	vsub.f32 v30, v19;
	vm3 =	vge.f32 v18, $1.000000000e+00  }
0x84: {  	s30 =	sor.u32 s14, s30;
	vm1 =	vge.f32 v30, $1.000000000e+00;
	v17 =	vsub.f32 v5, v28;
	v20 =	vsub.f32 v8, v20  }
0x85: {  	v29 =	vld [tilespmem:s30+$0xC300];
	vm0 =	vge.f32 v5, $1.000000000e+00;
	vm15 =	vge.f32 v6, $1.000000000e+00;
	vm2 =	vge.f32 v3, $1.000000000e+00  }
0x86: {  	v22 =	vld [tilespmem:s31+$0xC100];
	v3 =	vsub.f32 v3, v15;
	v18 =	vsel vm3, $0x3F800000, v0;
	v7 =	vmul.f32 v7, v7  }
0x87: {  	s2 =	simm.s32 $0x1;
	v19 =	vld [tilespmem:s31+$0x8000];
	v18 =	vadd.f32 v18, v4;
	v4 =	vsub.f32 v6, v27;
	v5 =	vmul.f32 v12, v12  }
0x88: {  	s0 =	sand.u32 $0x7, s2;
	v26 =	vld [tilespmem:s31+$0xC000];
	v17 =	vmul.f32 v17, v17;
	v3 =	vmul.f32 v3, v3;
	v6 =	vnsel vm3, $0x0, v7  }
0x89: {  	s0 =	sshll.u32 s0, $0x4;
	v12 =	vld [tilespmem:s31+$0x8100];
	v7 =	vsel vm2, $0x3F800000, v0;
	v15 =	vmul.f32 v4, v4;
	v28 =	vnsel vm1, $0x0, v5  }
0x8a: {  	s0 =	sadd.s32 $0x80, s0;
	v34 =	vld [tilespmem:s30+$0x8200];
	vm3 =	vge.f32 v8, $1.000000000e+00;
	v3 =	vnsel vm2, $0x0, v3;
	vm2 =	vge.f32 v29, $1.000000000e+00  }
0x8b: {  	s0 =	sor.u32 $0x380, s0;
	v35 =	vld [tilespmem:s30+$0xC080];
	v5 =	vadd.f32 v6, v16;
	v16 =	vmul.f32 v20, v20;
	v20 =	vsel vm15, $0x3F800000, v0  }
0x8c: {  	v30 =	vld [tilespmem:s0+$0x8000];
	v6 =	vadd.f32 v7, v13;
	v13 =	vsel vm3, $0x3F800000, v0;
	v8 =	vadd.f32 v28, v9  }
0x8d: {  	v27 =	vld [tilespmem:s30+$0x8300];
	v7 =	vadd.f32 v20, v14;
	v14 =	vsel vm1, $0x3F800000, v0;
	v9 =	vadd.f32 v13, v10  }
0x8e: {  	v4 =	vld [tilespmem:s30+$0x8000];
	v20 =	vsub.f32 v26, v19;
	vm1 =	vge.f32 v26, $1.000000000e+00;
	v12 =	vsub.f32 v22, v12  }
0x8f: {  	v28 =	vld [tilespmem:s30+$0x8080];
	v13 =	vnsel vm0, $0x0, v17;
	v10 =	vadd.f32 v14, v11;
	v14 =	vsel vm1, $0x3F800000, v0  }
0x90: {  	v19 =	vld [tilespmem:s0+$0xC000];
	v11 =	vnsel vm15, $0x0, v15;
	v15 =	vadd.f32 v14, v31;
	v26 =	vmul.f32 v12, v12  }
0x91: {  	v12 =	vadd.f32 v13, v23;
	v13 =	vsel vm0, $0x3F800000, v0;
	vm0 =	vge.f32 v22, $1.000000000e+00;
	v22 =	vld [tilespmem:s30+$0xC200]  }
0x92: {  	v17 =	vld [tilespmem:s30+$0xC100];
	v36 =	vnsel vm3, $0x0, v16;
	v14 =	vadd.f32 v3, v24;
	v3 =	vsub.f32 v29, v27  }
0x93: {  	v11 =	vadd.f32 v11, v21;
	v21 =	vld [tilespmem:s30+$0x8280];
	v37 =	vmul.f32 v20, v20;
	v13 =	vadd.f32 v13, v25  }
0x94: {  	v29 =	vld [tilespmem:s30+$0xC280];
	v23 =	vsel vm0, $0x3F800000, v0;
	v24 =	vsub.f32 v35, v28;
	v27 =	vmul.f32 v3, v3  }
0x95: {  	v25 =	vld [tilespmem:s30+$0xC180];
	v3 =	vsel vm2, $0x3F800000, v0;
	v26 =	vnsel vm0, $0x0, v26;
	v16 =	vadd.f32 v23, v63  }
0x96: {  	v28 =	vld [tilespmem:s30+$0x8180];
	vm0 =	vge.f32 v35, $1.000000000e+00;
	v23 =	vsub.f32 v19, v30;
	v31 =	vsub.f32 v22, v34  }
0x97: {  	s31 =	simm.s32 $0x2;
	v20 =	vld [tilespmem:s30+$0xC000];
	v30 =	vnsel vm1, $0x0, v37;
	v3 =	vadd.f32 v3, v18;
	v18 =	vadd.f32 v36, v33  }
.LBB2_5:
0x98: {  	s0 =	sand.u32 $0x7, s31;
	s28 =	sadd.s32 $0x10, s28;
	vm1 =	vge.f32 v22, $1.000000000e+00;
	v22 =	vmul.f32 v31, v31;
	s29 =	sadd.s32 $0x80, s29;
	v2 =	vadd.f32 v30, v2  }
0x99: {  	v1 =	vadd.f32 v26, v1;
	s0 =	sshll.u32 s0, $0x4;
	s2 =	sand.u32 $0x70, s28;
	s14 =	sand.u32 $0x3C00, s29;
	v21 =	vsub.f32 v29, v21;
	vm4 =	vge.f32 v29, $1.000000000e+00  }
0x9a: {  	v24 =	vmul.f32 v24, v24;
	v27 =	vnsel vm2, $0x0, v27;
	p1 =	slt.u32 s28, $0x7F0;
	s0 =	sadd.s32 s0, s29;
	v26 =	vld [tilespmem:s30+$0x8100];
	s30 =	sor.u32 s2, s14;
	vm3 =	vge.f32 v25, $1.000000000e+00  }
0x9b: {  	v29 =	vld [tilespmem:s30+$0x8300];
	s0 =	sor.u32 $0x380, s0;
	v25 =	vsub.f32 v25, v28;
	v28 =	vsel vm3, $0x3F800000, v0;
	v30 =	vmul.f32 v21, v21  }
0x9c: {  	v23 =	vmul.f32 v23, v23;
	v5 =	vadd.f32 v27, v5;
	v24 =	vnsel vm0, $0x0, v24;
	v32 =	vld [tilespmem:s0+$0x8000]  }
0x9d: {  	vm2 =	vge.f32 v19, $1.000000000e+00;
	v31 =	vsel vm4, $0x3F800000, v0;
	v27 =	vld [tilespmem:s30+$0x8000];
	v25 =	vmul.f32 v25, v25  }
0x9e: {  	v19 =	vsel vm2, $0x3F800000, v0;
	v7 =	vadd.f32 v31, v7;
	v6 =	vadd.f32 v28, v6;
	v21 =	vld [tilespmem:s30+$0x8280]  }
0x9f: {  	v9 =	vadd.f32 v19, v9;
	v8 =	vadd.f32 v24, v8;
	v24 =	vsel vm0, $0x3F800000, v0;
	v31 =	vld [tilespmem:s30+$0x8200]  }
0xa0: {  	v10 =	vadd.f32 v24, v10;
	v24 =	vnsel vm4, $0x0, v30;
	v19 =	vsub.f32 v17, v26;
	v28 =	vld [tilespmem:s30+$0x8080]  }
0xa1: {  	v22 =	vnsel vm1, $0x0, v22;
	v11 =	vadd.f32 v24, v11;
	v26 =	vsub.f32 v20, v4;
	v30 =	vld [tilespmem:s30+$0xC300]  }
0xa2: {  	v12 =	vadd.f32 v22, v12;
	vm4 =	vge.f32 v20, $1.000000000e+00;
	v24 =	vmul.f32 v19, v19;
	v33 =	vld [tilespmem:s30+$0xC080];
	v4 =	vmovc v27  }
0xa3: {  	vm0 =	vge.f32 v17, $1.000000000e+00;
	v20 =	vsel vm4, $0x3F800000, v0;
	v17 =	vsel vm1, $0x3F800000, v0;
	v19 =	vld [tilespmem:s0+$0xC000]  }
0xa4: {  	v25 =	vnsel vm3, $0x0, v25;
	v13 =	vadd.f32 v17, v13;
	v27 =	vsel vm0, $0x3F800000, v0;
	v22 =	vld [tilespmem:s30+$0xC200]  }
0xa5: {  	v34 =	vnsel vm2, $0x0, v23;
	v15 =	vadd.f32 v20, v15;
	v14 =	vadd.f32 v25, v14;
	v17 =	vld [tilespmem:s30+$0xC100]  }
.Ltmp3:
0xa6: {  	v35 =	vmul.f32 v26, v26;
	v26 =	vnsel vm0, $0x0, v24;
	v20 =	vld [tilespmem:s30+$0xC000];
	v23 =	vsub.f32 v30, v29;
	(pc) =	sbr.rel @p1 .LBB2_5-.Ltmp3, $4  }
0xa7: {  	v16 =	vadd.f32 v27, v16;
	vm2 =	vge.f32 v30, $1.000000000e+00;
	v24 =	vsub.f32 v33, v28;
	v29 =	vld [tilespmem:s30+$0xC280]  }
0xa8: {  	v30 =	vnsel vm4, $0x0, v35;
	vm0 =	vge.f32 v33, $1.000000000e+00;
	v25 =	vld [tilespmem:s30+$0xC180];
	v27 =	vmul.f32 v23, v23  }
0xa9: {  	v33 =	vsel vm2, $0x3F800000, v0;
	v23 =	vsub.f32 v19, v32;
	v28 =	vld [tilespmem:s30+$0x8180];
	v31 =	vsub.f32 v22, v31  }
0xaa: {  	s31 =	sadd.s32 $0x1, s31;
	v18 =	vadd.f32 v34, v18;
	v3 =	vadd.f32 v33, v3  }
0xab: {  	vm1 =	vge.f32 v22, $1.000000000e+00;
	v31 =	vmul.f32 v31, v31  }
0xac: {  	v2 =	vadd.f32 v30, v2;
	v1 =	vadd.f32 v26, v1;
	v22 =	vmul.f32 v24, v24  }
0xad: {  	v58 =	vnsel vm2, $0x0, v27;
	v62 =	vmul.f32 v23, v23;
	vm13 =	vge.f32 v19, $1.000000000e+00  }
0xae: {  	v4 =	vsub.f32 v20, v4;
	vm14 =	vge.f32 v20, $1.000000000e+00;
	vm15 =	vge.f32 v17, $1.000000000e+00  }
0xaf: {  	v21 =	vsub.f32 v29, v21;
	vm3 =	vge.f32 v29, $1.000000000e+00;
	vm4 =	vge.f32 v25, $1.000000000e+00  }
0xb0: {  	v57 =	vld [tilespmem:s30+$0x8100];
	v61 =	vnsel vm0, $0x0, v22;
	v22 =	vadd.f32 v58, v5;
	v5 =	vsel vm3, $0x3F800000, v0  }
0xb1: {  	v63 =	vnsel vm1, $0x0, v31;
	v59 =	vsub.f32 v25, v28;
	v60 =	vsel vm4, $0x3F800000, v0  }
0xb2: {  	v21 =	vmul.f32 v21, v21;
	v7 =	vadd.f32 v5, v7;
	v23 =	vadd.f32 v61, v8  }
0xb3: {  	v5 =	vsel vm13, $0x3F800000, v0;
	v20 =	vadd.f32 v63, v12;
	v19 =	vadd.f32 v60, v6  }
0xb4: {  	v6 =	vsel vm0, $0x3F800000, v0;
	v5 =	vadd.f32 v5, v9;
	v9 =	vmul.f32 v59, v59  }
0xb5: {  	v8 =	vadd.f32 v6, v10;
	v6 =	vsub.f32 v17, v57;
	v10 =	vnsel vm3, $0x0, v21  }
0xb6: {  	v17 =	vsel vm15, $0x3F800000, v0;
	v21 =	vadd.f32 v10, v11;
	v11 =	vsel vm14, $0x3F800000, v0  }
.Ltmp4:
0xb7: {  	v10 =	vmul.f32 v6, v6;
	v12 =	vadd.f32 v11, v15;
	v11 =	vmul.f32 v4, v4;
	(pc) =	sbr.rel @p0 .LBB2_8-.Ltmp4, $4  }
0xb8: {  	v6 =	vsel vm1, $0x3F800000, v0;
	v9 =	vnsel vm4, $0x0, v9;
	v4 =	vadd.f32 v17, v16  }
0xb9: {  	v6 =	vadd.f32 v6, v13;
	v15 =	vadd.f32 v9, v14;
	v11 =	vnsel vm14, $0x0, v11  }
0xba: {  	v9 =	vnsel vm13, $0x0, v62;
	v10 =	vnsel vm15, $0x0, v10;
	v2 =	vadd.f32 v11, v2  }
0xbb: {  	v17 =	vadd.f32 v9, v18;
	v1 =	vadd.f32 v10, v1  }
0xbc: {  	s0 =	sadd.s32 s26, s10  }
0xbd: {  	s0 =	sshll.u32 s0, $0x8  }
.Ltmp5:
0xbe: {  	s0 =	sand.u32 $0xFFFF800, s0;
	(pc) =	sbr.rel .LBB2_2-.Ltmp5, $4  }
0xbf: {  	s2 =	sadd.s32 s1, s0  }
0xc0: {  	[tilespmem:s15], [sflag:$0x3] =	stream.linear.gather [hbm4b:s2+s4], $0x4000, $0x38;
	[tilespmem:$0x10100] =	vst v63  }
0xc1: {  	s25 =	sadd.s32 $0x1, s25;
	s0 =	sadd.s32 s3, s0  }
0xc2: {  	[tilespmem:s16], [sflag:$0x4] =	stream.linear.gather [hbm4b:s0+s4], $0x4000, $0x38;
	[tilespmem:$0x10100] =	vst v63  }
.LBB2_9:
0xc3: {  	_ =	sfence.sel $0x180000  }
0xc4: {  	[bflag:$0x0] =	sbarrier.arrive $0xFFFF  }
0xc5: {  	_ =	strace $0x90000047  }
0xc6: {  	s0 =	stileid.u32;
	[bflag:$0x2] =	sbarrier.arrive $0xFFFF  }
0xc7: {  	p0 =	sne.s32 s0, $0x0;
	s0 =	rddreg [dreg:$0x3]  }
0xc8: {  	s0 =	sadd.s32 @!p0 $0x100000, s0  }
0xc9: {  	[sflag:s0] =	ssyncadd.tile.s32 @!p0 $0x1;
	_ =	shalt  }
.Lfunc_end2:
_tile_overlayer_lowered:
.L_overlay_start_2:
0xca: {  	(tag) =	ssettag $0x2  }
0xcb: {  	s0 =	rddreg [dreg:$0x0];
	s2 =	stileid.u32  }
0xcc: {  	s1 =	rddreg [dreg:$0x1];
	p0 =	sne.s32 s2, $0x0  }
0xcd: {  	s3 =	rddreg [dreg:$0x2];
	[bflag:$0x3] =	sbarrier.arrive $0xFFFF;
	s2 =	simm.s32 @!p0 $0x1C05  }
0xce: {  	[timem:s3], [sflag:s2] =	dma.local @!p0 [hbm:s0], s1  }
0xcf: {  	s0 =	simm.s32 @!p0 $0x5  }
0xd0: {  	_ =	swait.ge @!p0 [sflag:s0], s1  }
0xd1: {  	s1 =	ssub.s32 @!p0 $0x0, s1;
	[sflag:s0] =	ssyncset.done @!p0 $0x0  }
0xd2: {  	[sflag:s0] =	ssyncadd.s32 @!p0 s1  }
0xd3: {  	[bflag:$0x3] =	sbarrier.arrive $0xFFFF  }
0xd4: {  	_ =	shalt  }

</sc_bundles>
